<compile_context>
chip_gen: v7x
topology: tpu7x:2x2x1
jax: 0.10.2.dev20260603
libtpu: 0.0.44.dev20260713+nightly
codegen_flags: <defaults>
</compile_context>

<pallas_src>
import functools

import jax
import jax.numpy as jnp
from jax import lax
from jax.experimental import pallas as pl
from jax.experimental.pallas import tpu as pltpu
from jax.experimental.pallas import tpu_sc as plsc

B = 1024 * 200
DW = 128
DE = 64
DP = 128
NW = 32
PER_W = B // NW
C = 128
NITER = PER_W // C
NBUF = 5
LA = 2

_mesh = plsc.VectorSubcoreMesh(core_axis_name="c", subcore_axis_name="s")


@functools.partial(
    pl.kernel,
    out_type=jax.ShapeDtypeStruct((B, DP), jnp.float32),
    mesh=_mesh,
    scratch_types=[
        pltpu.VMEM((PER_W,), jnp.int32),
        pltpu.VMEM((NBUF, C, DP), jnp.float32),
        pltpu.SemaphoreType.DMA((NBUF,)),
        pltpu.SemaphoreType.DMA((NBUF,)),
    ],
    compiler_params=pltpu.CompilerParams(use_tc_tiling_on_sc=True),
)
def _sc_gather(idx_hbm, table_hbm, gath_hbm, idx_v, rows_v, gsem, ssem):
    wid = lax.axis_index("s") * 2 + lax.axis_index("c")
    base = wid * PER_W

    def fire_gather(ci, b):
        pltpu.async_copy(
            table_hbm.at[idx_v.at[pl.ds(ci * C, C)]], rows_v.at[b], gsem.at[b])

    def wait_gather(b):
        pltpu.make_async_copy(
            table_hbm.at[idx_v.at[pl.ds(0, C)]], rows_v.at[b], gsem.at[b]).wait()

    def fire_store(ci, b):
        pltpu.async_copy(
            rows_v.at[b], gath_hbm.at[pl.ds(base + ci * C, C), :], ssem.at[b])

    def wait_store(b):
        pltpu.make_async_copy(
            rows_v.at[b], gath_hbm.at[pl.ds(0, C), :], ssem.at[b]).wait()

    def step(ci, b, wait_prev_store, fire_next_gather):
        wait_gather(b)
        if fire_next_gather:
            nb = (b + LA) % NBUF
            if wait_prev_store:
                wait_store(nb)
            fire_gather(ci + LA, nb)
        fire_store(ci, b)

    pltpu.sync_copy(idx_hbm.at[pl.ds(base, PER_W)], idx_v)

    for ci in range(LA):
        fire_gather(ci, ci)

    for ci in range(NBUF):
        step(ci, ci % NBUF, wait_prev_store=(ci + LA >= NBUF),
             fire_next_gather=True)

    def body(k, carry):
        for b in range(NBUF):
            step(k * NBUF + b, b, wait_prev_store=True, fire_next_gather=True)
        return carry

    lax.fori_loop(1, NITER // NBUF - 1, body, 0)

    for ci in range(NITER - NBUF, NITER):
        step(ci, ci % NBUF, wait_prev_store=True,
             fire_next_gather=(ci + LA < NITER))

    for b in range(NBUF):
        wait_store(b)


RB = 2048


def _tc_concat_body(wall_ref, gath_ref, out_ref):
    out_ref[:, 0:DW] = wall_ref[...]
    out_ref[:, DW:DW + DE] = gath_ref[:, 0:DE]


_tc_concat = pl.pallas_call(
    _tc_concat_body,
    out_shape=jax.ShapeDtypeStruct((B, DW + DE), jnp.float32),
    grid=(B // RB,),
    in_specs=[
        pl.BlockSpec((RB, DW), lambda i: (i, 0)),
        pl.BlockSpec((RB, DP), lambda i: (i, 0)),
    ],
    out_specs=pl.BlockSpec((RB, DW + DE), lambda i: (i, 0)),
)


def kernel(wall_distances, keymask, key_embed):
    wall2d = wall_distances.reshape(B, DW)
    idx1d = jnp.maximum(keymask.reshape(B), 0)
    table_pad = jnp.pad(key_embed, ((0, 0), (0, DP - DE)))
    gath = _sc_gather(idx1d, table_pad)
    out = jnp.concatenate([wall2d, gath[:, :DE]], axis=1)
    return out.reshape(1024, 200, DW + DE)

# --- scband reference (transcript-rebuilt; emitter-appended) ---
"""Pipeline reference for scband-model-36945308680545 (READ-ONLY COPY).

The authoritative reference and input builder live on the scoring server;
editing this copy changes nothing except your own understanding.
"""

import jax, jax.numpy as jnp
import numpy as np


def setup_inputs(seed: int = 0) -> dict:
    key = jax.random.key(seed)
    k1, k2, k3 = jax.random.split(key, 3)
    wall_distances = jax.random.normal(k1, (1024, 200, 128), dtype=jnp.float32)
    keymask = jax.random.randint(k2, (1024, 200, 1), 0, 100000, dtype=jnp.int32)
    key_embed = jax.random.normal(k3, (100000, 64), dtype=jnp.float32)
    return {"wall_distances": wall_distances, "keymask": keymask, "key_embed": key_embed}


def reference(wall_distances, keymask, key_embed):
    # data['keymask'].squeeze(2)
    km = jnp.squeeze(keymask, axis=2).astype(jnp.int32)
    # nn.Embedding lookup -> table gather
    keymask_embed = jnp.take(key_embed, km, axis=0)
    # torch.cat([distances, keymask_embed], dim=-1)
    features = jnp.concatenate([wall_distances, keymask_embed], axis=-1)
    return features

if __name__ == "__main__":
    import jax
    _d = setup_inputs()
    print(jax.jit(kernel)(*tuple(_d.values())))

</pallas_src>

<mosaic_0001>
#map = affine_map<(d0, d1) -> (0)>
#map1 = affine_map<(d0, d1) -> (0, 0)>
module attributes {stable_mosaic.version = 14 : i64} {
  func.func @_sc_gather(%arg0: i32, %arg1: i32, %arg2: memref<204800xi32, #tpu.memory_space<hbm>>, %arg3: memref<100000x128xf32, #tpu.memory_space<hbm>>, %arg4: memref<204800x128xf32, #tpu.memory_space<hbm>>, %arg5: memref<6400xi32, #tpu.memory_space<vmem>>, %arg6: memref<5x128x128xf32, #tpu.memory_space<vmem>>, %arg7: memref<5x!tpu.dma_semaphore, #tpu.memory_space<semaphore_mem>>, %arg8: memref<5x!tpu.dma_semaphore, #tpu.memory_space<semaphore_mem>>) attributes {dimension_semantics = [#tpu.dimension_semantics<core_parallel>, #tpu.dimension_semantics<subcore_parallel>], iteration_bounds = array<i64: 2, 16>, scalar_prefetch = 0 : i64, scratch_operands = 4 : i64, tpu.core_type = #tpu.core_type<sc_vector_subcore>, window_params = [{transform_indices = #map}, {transform_indices = #map1}, {transform_indices = #map1}]} {
    %mul3A = arith.constant 2 : i32
    %mul3A_0 = arith.muli %arg1, %mul3A : i32
    %add3A = arith.addi %mul3A_0, %arg0 : i32
    %mul3A_1 = arith.constant 6400 : i32
    %mul3A_2 = arith.muli %add3A, %mul3A_1 : i32
    "tpu.region"() ({
      %run_scoped3A = tpu.sem_alloc : memref<!tpu.dma_semaphore, #tpu.memory_space<semaphore_mem>>
      %dma_start3A_626 = tpu.memref_slice %arg2[%mul3A_2] : memref<204800xi32, #tpu.memory_space<hbm>> -> memref<6400xi32, #tpu.memory_space<hbm>>
      %dma_start3A_627 = tpu.memref_slice %arg2[%mul3A_2] : memref<204800xi32, #tpu.memory_space<hbm>> -> memref<6400xi32, #tpu.memory_space<hbm>>
      tpu.enqueue_dma source(%dma_start3A_627 : memref<6400xi32, #tpu.memory_space<hbm>>) target(%arg5 : memref<6400xi32, #tpu.memory_space<vmem>>) target_semaphore(%run_scoped3A : memref<!tpu.dma_semaphore, #tpu.memory_space<semaphore_mem>>)
      %dma_wait3A_628 = tpu.memref_slice %arg2[%mul3A_2] : memref<204800xi32, #tpu.memory_space<hbm>> -> memref<6400xi32, #tpu.memory_space<hbm>>
      %dma_wait3A_629 = tpu.memref_slice %arg2[%mul3A_2] : memref<204800xi32, #tpu.memory_space<hbm>> -> memref<6400xi32, #tpu.memory_space<hbm>>
      tpu.wait_dma2 semaphore(%run_scoped3A : memref<!tpu.dma_semaphore, #tpu.memory_space<semaphore_mem>>) src(%dma_wait3A_629 : memref<6400xi32, #tpu.memory_space<hbm>>) dst(%arg5 : memref<6400xi32, #tpu.memory_space<vmem>>)
      tpu.yield
    }) : () -> ()
    %dma_start3A = arith.constant 0 : i32
    %dma_start3A_3 = arith.constant 0 : i32
    %dma_start3A_4 = arith.constant 0 : i32
    %dma_start3A_5 = arith.constant 0 : i32
    %dma_start3A_6 = tpu.memref_slice %arg6[%dma_start3A, %dma_start3A_4, %dma_start3A_5] : memref<5x128x128xf32, #tpu.memory_space<vmem>> -> memref<1x128x128xf32, #tpu.memory_space<vmem>>
    %dma_start3A_7 = tpu.memref_squeeze %dma_start3A_6 : memref<1x128x128xf32, #tpu.memory_space<vmem>> -> memref<128x128xf32, #tpu.memory_space<vmem>>
    %dma_start3A_8 = arith.constant 0 : i32
    %dma_start3A_9 = tpu.memref_slice %arg5[%dma_start3A_8] : memref<6400xi32, #tpu.memory_space<vmem>> -> memref<128xi32, #tpu.memory_space<vmem>>
    %dma_start3A_10 = arith.constant 0 : i32
    %dma_start3A_11 = arith.constant 0 : i32
    %dma_start3A_12 = tpu.memref_slice %arg3[%dma_start3A_10, %dma_start3A_11] : memref<100000x128xf32, #tpu.memory_space<hbm>> -> memref<100000x128xf32, #tpu.memory_space<hbm>>
    %dma_start3A_13 = tpu.memref_slice %arg7[%dma_start3A_3] : memref<5x!tpu.dma_semaphore, #tpu.memory_space<semaphore_mem>> -> memref<1x!tpu.dma_semaphore, #tpu.memory_space<semaphore_mem>>
    %dma_start3A_14 = tpu.memref_squeeze %dma_start3A_13 : memref<1x!tpu.dma_semaphore, #tpu.memory_space<semaphore_mem>> -> memref<!tpu.dma_semaphore, #tpu.memory_space<semaphore_mem>>
    tpu.enqueue_indirect_dma source(%dma_start3A_12 : memref<100000x128xf32, #tpu.memory_space<hbm>>) target(%dma_start3A_7 : memref<128x128xf32, #tpu.memory_space<vmem>>) offsets(%dma_start3A_9 : memref<128xi32, #tpu.memory_space<vmem>>) semaphore(%dma_start3A_14 : memref<!tpu.dma_semaphore, #tpu.memory_space<semaphore_mem>>)
    %dma_start3A_15 = arith.constant 1 : i32
    %dma_start3A_16 = arith.constant 1 : i32
    %dma_start3A_17 = arith.constant 0 : i32
    %dma_start3A_18 = arith.constant 0 : i32
    %dma_start3A_19 = tpu.memref_slice %arg6[%dma_start3A_15, %dma_start3A_17, %dma_start3A_18] : memref<5x128x128xf32, #tpu.memory_space<vmem>> -> memref<1x128x128xf32, #tpu.memory_space<vmem>>
    %dma_start3A_20 = tpu.memref_squeeze %dma_start3A_19 : memref<1x128x128xf32, #tpu.memory_space<vmem>> -> memref<128x128xf32, #tpu.memory_space<vmem>>
    %dma_start3A_21 = arith.constant 128 : i32
    %dma_start3A_22 = tpu.memref_slice %arg5[%dma_start3A_21] : memref<6400xi32, #tpu.memory_space<vmem>> -> memref<128xi32, #tpu.memory_space<vmem>>
    %dma_start3A_23 = arith.constant 0 : i32
    %dma_start3A_24 = arith.constant 0 : i32
    %dma_start3A_25 = tpu.memref_slice %arg3[%dma_start3A_23, %dma_start3A_24] : memref<100000x128xf32, #tpu.memory_space<hbm>> -> memref<100000x128xf32, #tpu.memory_space<hbm>>
    %dma_start3A_26 = tpu.memref_slice %arg7[%dma_start3A_16] : memref<5x!tpu.dma_semaphore, #tpu.memory_space<semaphore_mem>> -> memref<1x!tpu.dma_semaphore, #tpu.memory_space<semaphore_mem>>
    %dma_start3A_27 = tpu.memref_squeeze %dma_start3A_26 : memref<1x!tpu.dma_semaphore, #tpu.memory_space<semaphore_mem>> -> memref<!tpu.dma_semaphore, #tpu.memory_space<semaphore_mem>>
    tpu.enqueue_indirect_dma source(%dma_start3A_25 : memref<100000x128xf32, #tpu.memory_space<hbm>>) target(%dma_start3A_20 : memref<128x128xf32, #tpu.memory_space<vmem>>) offsets(%dma_start3A_22 : memref<128xi32, #tpu.memory_space<vmem>>) semaphore(%dma_start3A_27 : memref<!tpu.dma_semaphore, #tpu.memory_space<semaphore_mem>>)
    %dma_wait3A = arith.constant 0 : i32
    %dma_wait3A_28 = arith.constant 0 : i32
    %dma_wait3A_29 = arith.constant 0 : i32
    %dma_wait3A_30 = arith.constant 0 : i32
    %dma_wait3A_31 = tpu.memref_slice %arg6[%dma_wait3A, %dma_wait3A_29, %dma_wait3A_30] : memref<5x128x128xf32, #tpu.memory_space<vmem>> -> memref<1x128x128xf32, #tpu.memory_space<vmem>>
    %dma_wait3A_32 = tpu.memref_squeeze %dma_wait3A_31 : memref<1x128x128xf32, #tpu.memory_space<vmem>> -> memref<128x128xf32, #tpu.memory_space<vmem>>
    %dma_wait3A_33 = arith.constant 0 : i32
    %dma_wait3A_34 = tpu.memref_slice %arg5[%dma_wait3A_33] : memref<6400xi32, #tpu.memory_space<vmem>> -> memref<128xi32, #tpu.memory_space<vmem>>
    %dma_wait3A_35 = arith.constant 0 : i32
    %dma_wait3A_36 = arith.constant 0 : i32
    %dma_wait3A_37 = tpu.memref_slice %arg3[%dma_wait3A_35, %dma_wait3A_36] : memref<100000x128xf32, #tpu.memory_space<hbm>> -> memref<100000x128xf32, #tpu.memory_space<hbm>>
    %dma_wait3A_38 = tpu.memref_slice %arg7[%dma_wait3A_28] : memref<5x!tpu.dma_semaphore, #tpu.memory_space<semaphore_mem>> -> memref<1x!tpu.dma_semaphore, #tpu.memory_space<semaphore_mem>>
    %dma_wait3A_39 = tpu.memref_squeeze %dma_wait3A_38 : memref<1x!tpu.dma_semaphore, #tpu.memory_space<semaphore_mem>> -> memref<!tpu.dma_semaphore, #tpu.memory_space<semaphore_mem>>
    tpu.wait_indirect_dma semaphore(%dma_wait3A_39 : memref<!tpu.dma_semaphore, #tpu.memory_space<semaphore_mem>>) src(%dma_wait3A_37 : memref<100000x128xf32, #tpu.memory_space<hbm>>) dst(%dma_wait3A_32 : memref<128x128xf32, #tpu.memory_space<vmem>>)
    %dma_start3A_40 = arith.constant 2 : i32
    %dma_start3A_41 = arith.constant 2 : i32
    %dma_start3A_42 = arith.constant 0 : i32
    %dma_start3A_43 = arith.constant 0 : i32
    %dma_start3A_44 = tpu.memref_slice %arg6[%dma_start3A_40, %dma_start3A_42, %dma_start3A_43] : memref<5x128x128xf32, #tpu.memory_space<vmem>> -> memref<1x128x128xf32, #tpu.memory_space<vmem>>
    %dma_start3A_45 = tpu.memref_squeeze %dma_start3A_44 : memref<1x128x128xf32, #tpu.memory_space<vmem>> -> memref<128x128xf32, #tpu.memory_space<vmem>>
    %dma_start3A_46 = arith.constant 256 : i32
    %dma_start3A_47 = tpu.memref_slice %arg5[%dma_start3A_46] : memref<6400xi32, #tpu.memory_space<vmem>> -> memref<128xi32, #tpu.memory_space<vmem>>
    %dma_start3A_48 = arith.constant 0 : i32
    %dma_start3A_49 = arith.constant 0 : i32
    %dma_start3A_50 = tpu.memref_slice %arg3[%dma_start3A_48, %dma_start3A_49] : memref<100000x128xf32, #tpu.memory_space<hbm>> -> memref<100000x128xf32, #tpu.memory_space<hbm>>
    %dma_start3A_51 = tpu.memref_slice %arg7[%dma_start3A_41] : memref<5x!tpu.dma_semaphore, #tpu.memory_space<semaphore_mem>> -> memref<1x!tpu.dma_semaphore, #tpu.memory_space<semaphore_mem>>
    %dma_start3A_52 = tpu.memref_squeeze %dma_start3A_51 : memref<1x!tpu.dma_semaphore, #tpu.memory_space<semaphore_mem>> -> memref<!tpu.dma_semaphore, #tpu.memory_space<semaphore_mem>>
    tpu.enqueue_indirect_dma source(%dma_start3A_50 : memref<100000x128xf32, #tpu.memory_space<hbm>>) target(%dma_start3A_45 : memref<128x128xf32, #tpu.memory_space<vmem>>) offsets(%dma_start3A_47 : memref<128xi32, #tpu.memory_space<vmem>>) semaphore(%dma_start3A_52 : memref<!tpu.dma_semaphore, #tpu.memory_space<semaphore_mem>>)
    %add3A_53 = arith.constant 0 : i32
    %add3A_54 = arith.addi %mul3A_2, %add3A_53 : i32
    %dma_start3A_55 = arith.constant 0 : i32
    %dma_start3A_56 = arith.constant 0 : i32
    %dma_start3A_57 = arith.constant 0 : i32
    %dma_start3A_58 = arith.constant 0 : i32
    %dma_start3A_59 = tpu.memref_slice %arg6[%dma_start3A_55, %dma_start3A_57, %dma_start3A_58] : memref<5x128x128xf32, #tpu.memory_space<vmem>> -> memref<1x128x128xf32, #tpu.memory_space<vmem>>
    %dma_start3A_60 = tpu.memref_squeeze %dma_start3A_59 : memref<1x128x128xf32, #tpu.memory_space<vmem>> -> memref<128x128xf32, #tpu.memory_space<vmem>>
    %dma_start3A_61 = arith.constant 0 : i32
    %dma_start3A_62 = tpu.memref_slice %arg4[%add3A_54, %dma_start3A_61] : memref<204800x128xf32, #tpu.memory_space<hbm>> -> memref<128x128xf32, #tpu.memory_space<hbm>>
    %dma_start3A_63 = tpu.memref_slice %arg8[%dma_start3A_56] : memref<5x!tpu.dma_semaphore, #tpu.memory_space<semaphore_mem>> -> memref<1x!tpu.dma_semaphore, #tpu.memory_space<semaphore_mem>>
    %dma_start3A_64 = tpu.memref_squeeze %dma_start3A_63 : memref<1x!tpu.dma_semaphore, #tpu.memory_space<semaphore_mem>> -> memref<!tpu.dma_semaphore, #tpu.memory_space<semaphore_mem>>
    %dma_start3A_65 = arith.constant 0 : i32
    %dma_start3A_66 = tpu.memref_slice %arg4[%add3A_54, %dma_start3A_65] : memref<204800x128xf32, #tpu.memory_space<hbm>> -> memref<128x128xf32, #tpu.memory_space<hbm>>
    %dma_start3A_67 = arith.constant 0 : i32
    %dma_start3A_68 = arith.constant 0 : i32
    %dma_start3A_69 = tpu.memref_slice %arg6[%dma_start3A_55, %dma_start3A_67, %dma_start3A_68] : memref<5x128x128xf32, #tpu.memory_space<vmem>> -> memref<1x128x128xf32, #tpu.memory_space<vmem>>
    %dma_start3A_70 = tpu.memref_squeeze %dma_start3A_69 : memref<1x128x128xf32, #tpu.memory_space<vmem>> -> memref<128x128xf32, #tpu.memory_space<vmem>>
    tpu.enqueue_dma source(%dma_start3A_70 : memref<128x128xf32, #tpu.memory_space<vmem>>) target(%dma_start3A_66 : memref<128x128xf32, #tpu.memory_space<hbm>>) target_semaphore(%dma_start3A_64 : memref<!tpu.dma_semaphore, #tpu.memory_space<semaphore_mem>>)
    %dma_wait3A_71 = arith.constant 1 : i32
    %dma_wait3A_72 = arith.constant 1 : i32
    %dma_wait3A_73 = arith.constant 0 : i32
    %dma_wait3A_74 = arith.constant 0 : i32
    %dma_wait3A_75 = tpu.memref_slice %arg6[%dma_wait3A_71, %dma_wait3A_73, %dma_wait3A_74] : memref<5x128x128xf32, #tpu.memory_space<vmem>> -> memref<1x128x128xf32, #tpu.memory_space<vmem>>
    %dma_wait3A_76 = tpu.memref_squeeze %dma_wait3A_75 : memref<1x128x128xf32, #tpu.memory_space<vmem>> -> memref<128x128xf32, #tpu.memory_space<vmem>>
    %dma_wait3A_77 = arith.constant 0 : i32
    %dma_wait3A_78 = tpu.memref_slice %arg5[%dma_wait3A_77] : memref<6400xi32, #tpu.memory_space<vmem>> -> memref<128xi32, #tpu.memory_space<vmem>>
    %dma_wait3A_79 = arith.constant 0 : i32
    %dma_wait3A_80 = arith.constant 0 : i32
    %dma_wait3A_81 = tpu.memref_slice %arg3[%dma_wait3A_79, %dma_wait3A_80] : memref<100000x128xf32, #tpu.memory_space<hbm>> -> memref<100000x128xf32, #tpu.memory_space<hbm>>
    %dma_wait3A_82 = tpu.memref_slice %arg7[%dma_wait3A_72] : memref<5x!tpu.dma_semaphore, #tpu.memory_space<semaphore_mem>> -> memref<1x!tpu.dma_semaphore, #tpu.memory_space<semaphore_mem>>
    %dma_wait3A_83 = tpu.memref_squeeze %dma_wait3A_82 : memref<1x!tpu.dma_semaphore, #tpu.memory_space<semaphore_mem>> -> memref<!tpu.dma_semaphore, #tpu.memory_space<semaphore_mem>>
    tpu.wait_indirect_dma semaphore(%dma_wait3A_83 : memref<!tpu.dma_semaphore, #tpu.memory_space<semaphore_mem>>) src(%dma_wait3A_81 : memref<100000x128xf32, #tpu.memory_space<hbm>>) dst(%dma_wait3A_76 : memref<128x128xf32, #tpu.memory_space<vmem>>)
    %dma_start3A_84 = arith.constant 3 : i32
    %dma_start3A_85 = arith.constant 3 : i32
    %dma_start3A_86 = arith.constant 0 : i32
    %dma_start3A_87 = arith.constant 0 : i32
    %dma_start3A_88 = tpu.memref_slice %arg6[%dma_start3A_84, %dma_start3A_86, %dma_start3A_87] : memref<5x128x128xf32, #tpu.memory_space<vmem>> -> memref<1x128x128xf32, #tpu.memory_space<vmem>>
    %dma_start3A_89 = tpu.memref_squeeze %dma_start3A_88 : memref<1x128x128xf32, #tpu.memory_space<vmem>> -> memref<128x128xf32, #tpu.memory_space<vmem>>
    %dma_start3A_90 = arith.constant 384 : i32
    %dma_start3A_91 = tpu.memref_slice %arg5[%dma_start3A_90] : memref<6400xi32, #tpu.memory_space<vmem>> -> memref<128xi32, #tpu.memory_space<vmem>>
    %dma_start3A_92 = arith.constant 0 : i32
    %dma_start3A_93 = arith.constant 0 : i32
    %dma_start3A_94 = tpu.memref_slice %arg3[%dma_start3A_92, %dma_start3A_93] : memref<100000x128xf32, #tpu.memory_space<hbm>> -> memref<100000x128xf32, #tpu.memory_space<hbm>>
    %dma_start3A_95 = tpu.memref_slice %arg7[%dma_start3A_85] : memref<5x!tpu.dma_semaphore, #tpu.memory_space<semaphore_mem>> -> memref<1x!tpu.dma_semaphore, #tpu.memory_space<semaphore_mem>>
    %dma_start3A_96 = tpu.memref_squeeze %dma_start3A_95 : memref<1x!tpu.dma_semaphore, #tpu.memory_space<semaphore_mem>> -> memref<!tpu.dma_semaphore, #tpu.memory_space<semaphore_mem>>
    tpu.enqueue_indirect_dma source(%dma_start3A_94 : memref<100000x128xf32, #tpu.memory_space<hbm>>) target(%dma_start3A_89 : memref<128x128xf32, #tpu.memory_space<vmem>>) offsets(%dma_start3A_91 : memref<128xi32, #tpu.memory_space<vmem>>) semaphore(%dma_start3A_96 : memref<!tpu.dma_semaphore, #tpu.memory_space<semaphore_mem>>)
    %add3A_97 = arith.constant 128 : i32
    %add3A_98 = arith.addi %mul3A_2, %add3A_97 : i32
    %dma_start3A_99 = arith.constant 1 : i32
    %dma_start3A_100 = arith.constant 1 : i32
    %dma_start3A_101 = arith.constant 0 : i32
    %dma_start3A_102 = arith.constant 0 : i32
    %dma_start3A_103 = tpu.memref_slice %arg6[%dma_start3A_99, %dma_start3A_101, %dma_start3A_102] : memref<5x128x128xf32, #tpu.memory_space<vmem>> -> memref<1x128x128xf32, #tpu.memory_space<vmem>>
    %dma_start3A_104 = tpu.memref_squeeze %dma_start3A_103 : memref<1x128x128xf32, #tpu.memory_space<vmem>> -> memref<128x128xf32, #tpu.memory_space<vmem>>
    %dma_start3A_105 = arith.constant 0 : i32
    %dma_start3A_106 = tpu.memref_slice %arg4[%add3A_98, %dma_start3A_105] : memref<204800x128xf32, #tpu.memory_space<hbm>> -> memref<128x128xf32, #tpu.memory_space<hbm>>
    %dma_start3A_107 = tpu.memref_slice %arg8[%dma_start3A_100] : memref<5x!tpu.dma_semaphore, #tpu.memory_space<semaphore_mem>> -> memref<1x!tpu.dma_semaphore, #tpu.memory_space<semaphore_mem>>
    %dma_start3A_108 = tpu.memref_squeeze %dma_start3A_107 : memref<1x!tpu.dma_semaphore, #tpu.memory_space<semaphore_mem>> -> memref<!tpu.dma_semaphore, #tpu.memory_space<semaphore_mem>>
    %dma_start3A_109 = arith.constant 0 : i32
    %dma_start3A_110 = tpu.memref_slice %arg4[%add3A_98, %dma_start3A_109] : memref<204800x128xf32, #tpu.memory_space<hbm>> -> memref<128x128xf32, #tpu.memory_space<hbm>>
    %dma_start3A_111 = arith.constant 0 : i32
    %dma_start3A_112 = arith.constant 0 : i32
    %dma_start3A_113 = tpu.memref_slice %arg6[%dma_start3A_99, %dma_start3A_111, %dma_start3A_112] : memref<5x128x128xf32, #tpu.memory_space<vmem>> -> memref<1x128x128xf32, #tpu.memory_space<vmem>>
    %dma_start3A_114 = tpu.memref_squeeze %dma_start3A_113 : memref<1x128x128xf32, #tpu.memory_space<vmem>> -> memref<128x128xf32, #tpu.memory_space<vmem>>
    tpu.enqueue_dma source(%dma_start3A_114 : memref<128x128xf32, #tpu.memory_space<vmem>>) target(%dma_start3A_110 : memref<128x128xf32, #tpu.memory_space<hbm>>) target_semaphore(%dma_start3A_108 : memref<!tpu.dma_semaphore, #tpu.memory_space<semaphore_mem>>)
    %dma_wait3A_115 = arith.constant 2 : i32
    %dma_wait3A_116 = arith.constant 2 : i32
    %dma_wait3A_117 = arith.constant 0 : i32
    %dma_wait3A_118 = arith.constant 0 : i32
    %dma_wait3A_119 = tpu.memref_slice %arg6[%dma_wait3A_115, %dma_wait3A_117, %dma_wait3A_118] : memref<5x128x128xf32, #tpu.memory_space<vmem>> -> memref<1x128x128xf32, #tpu.memory_space<vmem>>
    %dma_wait3A_120 = tpu.memref_squeeze %dma_wait3A_119 : memref<1x128x128xf32, #tpu.memory_space<vmem>> -> memref<128x128xf32, #tpu.memory_space<vmem>>
    %dma_wait3A_121 = arith.constant 0 : i32
    %dma_wait3A_122 = tpu.memref_slice %arg5[%dma_wait3A_121] : memref<6400xi32, #tpu.memory_space<vmem>> -> memref<128xi32, #tpu.memory_space<vmem>>
    %dma_wait3A_123 = arith.constant 0 : i32
    %dma_wait3A_124 = arith.constant 0 : i32
    %dma_wait3A_125 = tpu.memref_slice %arg3[%dma_wait3A_123, %dma_wait3A_124] : memref<100000x128xf32, #tpu.memory_space<hbm>> -> memref<100000x128xf32, #tpu.memory_space<hbm>>
    %dma_wait3A_126 = tpu.memref_slice %arg7[%dma_wait3A_116] : memref<5x!tpu.dma_semaphore, #tpu.memory_space<semaphore_mem>> -> memref<1x!tpu.dma_semaphore, #tpu.memory_space<semaphore_mem>>
    %dma_wait3A_127 = tpu.memref_squeeze %dma_wait3A_126 : memref<1x!tpu.dma_semaphore, #tpu.memory_space<semaphore_mem>> -> memref<!tpu.dma_semaphore, #tpu.memory_space<semaphore_mem>>
    tpu.wait_indirect_dma semaphore(%dma_wait3A_127 : memref<!tpu.dma_semaphore, #tpu.memory_space<semaphore_mem>>) src(%dma_wait3A_125 : memref<100000x128xf32, #tpu.memory_space<hbm>>) dst(%dma_wait3A_120 : memref<128x128xf32, #tpu.memory_space<vmem>>)
    %dma_start3A_128 = arith.constant 4 : i32
    %dma_start3A_129 = arith.constant 4 : i32
    %dma_start3A_130 = arith.constant 0 : i32
    %dma_start3A_131 = arith.constant 0 : i32
    %dma_start3A_132 = tpu.memref_slice %arg6[%dma_start3A_128, %dma_start3A_130, %dma_start3A_131] : memref<5x128x128xf32, #tpu.memory_space<vmem>> -> memref<1x128x128xf32, #tpu.memory_space<vmem>>
    %dma_start3A_133 = tpu.memref_squeeze %dma_start3A_132 : memref<1x128x128xf32, #tpu.memory_space<vmem>> -> memref<128x128xf32, #tpu.memory_space<vmem>>
    %dma_start3A_134 = arith.constant 512 : i32
    %dma_start3A_135 = tpu.memref_slice %arg5[%dma_start3A_134] : memref<6400xi32, #tpu.memory_space<vmem>> -> memref<128xi32, #tpu.memory_space<vmem>>
    %dma_start3A_136 = arith.constant 0 : i32
    %dma_start3A_137 = arith.constant 0 : i32
    %dma_start3A_138 = tpu.memref_slice %arg3[%dma_start3A_136, %dma_start3A_137] : memref<100000x128xf32, #tpu.memory_space<hbm>> -> memref<100000x128xf32, #tpu.memory_space<hbm>>
    %dma_start3A_139 = tpu.memref_slice %arg7[%dma_start3A_129] : memref<5x!tpu.dma_semaphore, #tpu.memory_space<semaphore_mem>> -> memref<1x!tpu.dma_semaphore, #tpu.memory_space<semaphore_mem>>
    %dma_start3A_140 = tpu.memref_squeeze %dma_start3A_139 : memref<1x!tpu.dma_semaphore, #tpu.memory_space<semaphore_mem>> -> memref<!tpu.dma_semaphore, #tpu.memory_space<semaphore_mem>>
    tpu.enqueue_indirect_dma source(%dma_start3A_138 : memref<100000x128xf32, #tpu.memory_space<hbm>>) target(%dma_start3A_133 : memref<128x128xf32, #tpu.memory_space<vmem>>) offsets(%dma_start3A_135 : memref<128xi32, #tpu.memory_space<vmem>>) semaphore(%dma_start3A_140 : memref<!tpu.dma_semaphore, #tpu.memory_space<semaphore_mem>>)
    %add3A_141 = arith.constant 256 : i32
    %add3A_142 = arith.addi %mul3A_2, %add3A_141 : i32
    %dma_start3A_143 = arith.constant 2 : i32
    %dma_start3A_144 = arith.constant 2 : i32
    %dma_start3A_145 = arith.constant 0 : i32
    %dma_start3A_146 = arith.constant 0 : i32
    %dma_start3A_147 = tpu.memref_slice %arg6[%dma_start3A_143, %dma_start3A_145, %dma_start3A_146] : memref<5x128x128xf32, #tpu.memory_space<vmem>> -> memref<1x128x128xf32, #tpu.memory_space<vmem>>
    %dma_start3A_148 = tpu.memref_squeeze %dma_start3A_147 : memref<1x128x128xf32, #tpu.memory_space<vmem>> -> memref<128x128xf32, #tpu.memory_space<vmem>>
    %dma_start3A_149 = arith.constant 0 : i32
    %dma_start3A_150 = tpu.memref_slice %arg4[%add3A_142, %dma_start3A_149] : memref<204800x128xf32, #tpu.memory_space<hbm>> -> memref<128x128xf32, #tpu.memory_space<hbm>>
    %dma_start3A_151 = tpu.memref_slice %arg8[%dma_start3A_144] : memref<5x!tpu.dma_semaphore, #tpu.memory_space<semaphore_mem>> -> memref<1x!tpu.dma_semaphore, #tpu.memory_space<semaphore_mem>>
    %dma_start3A_152 = tpu.memref_squeeze %dma_start3A_151 : memref<1x!tpu.dma_semaphore, #tpu.memory_space<semaphore_mem>> -> memref<!tpu.dma_semaphore, #tpu.memory_space<semaphore_mem>>
    %dma_start3A_153 = arith.constant 0 : i32
    %dma_start3A_154 = tpu.memref_slice %arg4[%add3A_142, %dma_start3A_153] : memref<204800x128xf32, #tpu.memory_space<hbm>> -> memref<128x128xf32, #tpu.memory_space<hbm>>
    %dma_start3A_155 = arith.constant 0 : i32
    %dma_start3A_156 = arith.constant 0 : i32
    %dma_start3A_157 = tpu.memref_slice %arg6[%dma_start3A_143, %dma_start3A_155, %dma_start3A_156] : memref<5x128x128xf32, #tpu.memory_space<vmem>> -> memref<1x128x128xf32, #tpu.memory_space<vmem>>
    %dma_start3A_158 = tpu.memref_squeeze %dma_start3A_157 : memref<1x128x128xf32, #tpu.memory_space<vmem>> -> memref<128x128xf32, #tpu.memory_space<vmem>>
    tpu.enqueue_dma source(%dma_start3A_158 : memref<128x128xf32, #tpu.memory_space<vmem>>) target(%dma_start3A_154 : memref<128x128xf32, #tpu.memory_space<hbm>>) target_semaphore(%dma_start3A_152 : memref<!tpu.dma_semaphore, #tpu.memory_space<semaphore_mem>>)
    %dma_wait3A_159 = arith.constant 3 : i32
    %dma_wait3A_160 = arith.constant 3 : i32
    %dma_wait3A_161 = arith.constant 0 : i32
    %dma_wait3A_162 = arith.constant 0 : i32
    %dma_wait3A_163 = tpu.memref_slice %arg6[%dma_wait3A_159, %dma_wait3A_161, %dma_wait3A_162] : memref<5x128x128xf32, #tpu.memory_space<vmem>> -> memref<1x128x128xf32, #tpu.memory_space<vmem>>
    %dma_wait3A_164 = tpu.memref_squeeze %dma_wait3A_163 : memref<1x128x128xf32, #tpu.memory_space<vmem>> -> memref<128x128xf32, #tpu.memory_space<vmem>>
    %dma_wait3A_165 = arith.constant 0 : i32
    %dma_wait3A_166 = tpu.memref_slice %arg5[%dma_wait3A_165] : memref<6400xi32, #tpu.memory_space<vmem>> -> memref<128xi32, #tpu.memory_space<vmem>>
    %dma_wait3A_167 = arith.constant 0 : i32
    %dma_wait3A_168 = arith.constant 0 : i32
    %dma_wait3A_169 = tpu.memref_slice %arg3[%dma_wait3A_167, %dma_wait3A_168] : memref<100000x128xf32, #tpu.memory_space<hbm>> -> memref<100000x128xf32, #tpu.memory_space<hbm>>
    %dma_wait3A_170 = tpu.memref_slice %arg7[%dma_wait3A_160] : memref<5x!tpu.dma_semaphore, #tpu.memory_space<semaphore_mem>> -> memref<1x!tpu.dma_semaphore, #tpu.memory_space<semaphore_mem>>
    %dma_wait3A_171 = tpu.memref_squeeze %dma_wait3A_170 : memref<1x!tpu.dma_semaphore, #tpu.memory_space<semaphore_mem>> -> memref<!tpu.dma_semaphore, #tpu.memory_space<semaphore_mem>>
    tpu.wait_indirect_dma semaphore(%dma_wait3A_171 : memref<!tpu.dma_semaphore, #tpu.memory_space<semaphore_mem>>) src(%dma_wait3A_169 : memref<100000x128xf32, #tpu.memory_space<hbm>>) dst(%dma_wait3A_164 : memref<128x128xf32, #tpu.memory_space<vmem>>)
    %dma_wait3A_172 = arith.constant 0 : i32
    %dma_wait3A_173 = arith.constant 0 : i32
    %dma_wait3A_174 = arith.constant 0 : i32
    %dma_wait3A_175 = arith.constant 0 : i32
    %dma_wait3A_176 = tpu.memref_slice %arg6[%dma_wait3A_172, %dma_wait3A_174, %dma_wait3A_175] : memref<5x128x128xf32, #tpu.memory_space<vmem>> -> memref<1x128x128xf32, #tpu.memory_space<vmem>>
    %dma_wait3A_177 = tpu.memref_squeeze %dma_wait3A_176 : memref<1x128x128xf32, #tpu.memory_space<vmem>> -> memref<128x128xf32, #tpu.memory_space<vmem>>
    %dma_wait3A_178 = arith.constant 0 : i32
    %dma_wait3A_179 = arith.constant 0 : i32
    %dma_wait3A_180 = tpu.memref_slice %arg4[%dma_wait3A_178, %dma_wait3A_179] : memref<204800x128xf32, #tpu.memory_space<hbm>> -> memref<128x128xf32, #tpu.memory_space<hbm>>
    %dma_wait3A_181 = tpu.memref_slice %arg8[%dma_wait3A_173] : memref<5x!tpu.dma_semaphore, #tpu.memory_space<semaphore_mem>> -> memref<1x!tpu.dma_semaphore, #tpu.memory_space<semaphore_mem>>
    %dma_wait3A_182 = tpu.memref_squeeze %dma_wait3A_181 : memref<1x!tpu.dma_semaphore, #tpu.memory_space<semaphore_mem>> -> memref<!tpu.dma_semaphore, #tpu.memory_space<semaphore_mem>>
    %dma_wait3A_183 = arith.constant 0 : i32
    %dma_wait3A_184 = arith.constant 0 : i32
    %dma_wait3A_185 = tpu.memref_slice %arg4[%dma_wait3A_183, %dma_wait3A_184] : memref<204800x128xf32, #tpu.memory_space<hbm>> -> memref<128x128xf32, #tpu.memory_space<hbm>>
    %dma_wait3A_186 = arith.constant 0 : i32
    %dma_wait3A_187 = arith.constant 0 : i32
    %dma_wait3A_188 = tpu.memref_slice %arg6[%dma_wait3A_172, %dma_wait3A_186, %dma_wait3A_187] : memref<5x128x128xf32, #tpu.memory_space<vmem>> -> memref<1x128x128xf32, #tpu.memory_space<vmem>>
    %dma_wait3A_189 = tpu.memref_squeeze %dma_wait3A_188 : memref<1x128x128xf32, #tpu.memory_space<vmem>> -> memref<128x128xf32, #tpu.memory_space<vmem>>
    tpu.wait_dma2 semaphore(%dma_wait3A_182 : memref<!tpu.dma_semaphore, #tpu.memory_space<semaphore_mem>>) src(%dma_wait3A_189 : memref<128x128xf32, #tpu.memory_space<vmem>>) dst(%dma_wait3A_185 : memref<128x128xf32, #tpu.memory_space<hbm>>)
    %dma_start3A_190 = arith.constant 0 : i32
    %dma_start3A_191 = arith.constant 0 : i32
    %dma_start3A_192 = arith.constant 0 : i32
    %dma_start3A_193 = arith.constant 0 : i32
    %dma_start3A_194 = tpu.memref_slice %arg6[%dma_start3A_190, %dma_start3A_192, %dma_start3A_193] : memref<5x128x128xf32, #tpu.memory_space<vmem>> -> memref<1x128x128xf32, #tpu.memory_space<vmem>>
    %dma_start3A_195 = tpu.memref_squeeze %dma_start3A_194 : memref<1x128x128xf32, #tpu.memory_space<vmem>> -> memref<128x128xf32, #tpu.memory_space<vmem>>
    %dma_start3A_196 = arith.constant 640 : i32
    %dma_start3A_197 = tpu.memref_slice %arg5[%dma_start3A_196] : memref<6400xi32, #tpu.memory_space<vmem>> -> memref<128xi32, #tpu.memory_space<vmem>>
    %dma_start3A_198 = arith.constant 0 : i32
    %dma_start3A_199 = arith.constant 0 : i32
    %dma_start3A_200 = tpu.memref_slice %arg3[%dma_start3A_198, %dma_start3A_199] : memref<100000x128xf32, #tpu.memory_space<hbm>> -> memref<100000x128xf32, #tpu.memory_space<hbm>>
    %dma_start3A_201 = tpu.memref_slice %arg7[%dma_start3A_191] : memref<5x!tpu.dma_semaphore, #tpu.memory_space<semaphore_mem>> -> memref<1x!tpu.dma_semaphore, #tpu.memory_space<semaphore_mem>>
    %dma_start3A_202 = tpu.memref_squeeze %dma_start3A_201 : memref<1x!tpu.dma_semaphore, #tpu.memory_space<semaphore_mem>> -> memref<!tpu.dma_semaphore, #tpu.memory_space<semaphore_mem>>
    tpu.enqueue_indirect_dma source(%dma_start3A_200 : memref<100000x128xf32, #tpu.memory_space<hbm>>) target(%dma_start3A_195 : memref<128x128xf32, #tpu.memory_space<vmem>>) offsets(%dma_start3A_197 : memref<128xi32, #tpu.memory_space<vmem>>) semaphore(%dma_start3A_202 : memref<!tpu.dma_semaphore, #tpu.memory_space<semaphore_mem>>)
    %add3A_203 = arith.constant 384 : i32
    %add3A_204 = arith.addi %mul3A_2, %add3A_203 : i32
    %dma_start3A_205 = arith.constant 3 : i32
    %dma_start3A_206 = arith.constant 3 : i32
    %dma_start3A_207 = arith.constant 0 : i32
    %dma_start3A_208 = arith.constant 0 : i32
    %dma_start3A_209 = tpu.memref_slice %arg6[%dma_start3A_205, %dma_start3A_207, %dma_start3A_208] : memref<5x128x128xf32, #tpu.memory_space<vmem>> -> memref<1x128x128xf32, #tpu.memory_space<vmem>>
    %dma_start3A_210 = tpu.memref_squeeze %dma_start3A_209 : memref<1x128x128xf32, #tpu.memory_space<vmem>> -> memref<128x128xf32, #tpu.memory_space<vmem>>
    %dma_start3A_211 = arith.constant 0 : i32
    %dma_start3A_212 = tpu.memref_slice %arg4[%add3A_204, %dma_start3A_211] : memref<204800x128xf32, #tpu.memory_space<hbm>> -> memref<128x128xf32, #tpu.memory_space<hbm>>
    %dma_start3A_213 = tpu.memref_slice %arg8[%dma_start3A_206] : memref<5x!tpu.dma_semaphore, #tpu.memory_space<semaphore_mem>> -> memref<1x!tpu.dma_semaphore, #tpu.memory_space<semaphore_mem>>
    %dma_start3A_214 = tpu.memref_squeeze %dma_start3A_213 : memref<1x!tpu.dma_semaphore, #tpu.memory_space<semaphore_mem>> -> memref<!tpu.dma_semaphore, #tpu.memory_space<semaphore_mem>>
    %dma_start3A_215 = arith.constant 0 : i32
    %dma_start3A_216 = tpu.memref_slice %arg4[%add3A_204, %dma_start3A_215] : memref<204800x128xf32, #tpu.memory_space<hbm>> -> memref<128x128xf32, #tpu.memory_space<hbm>>
    %dma_start3A_217 = arith.constant 0 : i32
    %dma_start3A_218 = arith.constant 0 : i32
    %dma_start3A_219 = tpu.memref_slice %arg6[%dma_start3A_205, %dma_start3A_217, %dma_start3A_218] : memref<5x128x128xf32, #tpu.memory_space<vmem>> -> memref<1x128x128xf32, #tpu.memory_space<vmem>>
    %dma_start3A_220 = tpu.memref_squeeze %dma_start3A_219 : memref<1x128x128xf32, #tpu.memory_space<vmem>> -> memref<128x128xf32, #tpu.memory_space<vmem>>
    tpu.enqueue_dma source(%dma_start3A_220 : memref<128x128xf32, #tpu.memory_space<vmem>>) target(%dma_start3A_216 : memref<128x128xf32, #tpu.memory_space<hbm>>) target_semaphore(%dma_start3A_214 : memref<!tpu.dma_semaphore, #tpu.memory_space<semaphore_mem>>)
    %dma_wait3A_221 = arith.constant 4 : i32
    %dma_wait3A_222 = arith.constant 4 : i32
    %dma_wait3A_223 = arith.constant 0 : i32
    %dma_wait3A_224 = arith.constant 0 : i32
    %dma_wait3A_225 = tpu.memref_slice %arg6[%dma_wait3A_221, %dma_wait3A_223, %dma_wait3A_224] : memref<5x128x128xf32, #tpu.memory_space<vmem>> -> memref<1x128x128xf32, #tpu.memory_space<vmem>>
    %dma_wait3A_226 = tpu.memref_squeeze %dma_wait3A_225 : memref<1x128x128xf32, #tpu.memory_space<vmem>> -> memref<128x128xf32, #tpu.memory_space<vmem>>
    %dma_wait3A_227 = arith.constant 0 : i32
    %dma_wait3A_228 = tpu.memref_slice %arg5[%dma_wait3A_227] : memref<6400xi32, #tpu.memory_space<vmem>> -> memref<128xi32, #tpu.memory_space<vmem>>
    %dma_wait3A_229 = arith.constant 0 : i32
    %dma_wait3A_230 = arith.constant 0 : i32
    %dma_wait3A_231 = tpu.memref_slice %arg3[%dma_wait3A_229, %dma_wait3A_230] : memref<100000x128xf32, #tpu.memory_space<hbm>> -> memref<100000x128xf32, #tpu.memory_space<hbm>>
    %dma_wait3A_232 = tpu.memref_slice %arg7[%dma_wait3A_222] : memref<5x!tpu.dma_semaphore, #tpu.memory_space<semaphore_mem>> -> memref<1x!tpu.dma_semaphore, #tpu.memory_space<semaphore_mem>>
    %dma_wait3A_233 = tpu.memref_squeeze %dma_wait3A_232 : memref<1x!tpu.dma_semaphore, #tpu.memory_space<semaphore_mem>> -> memref<!tpu.dma_semaphore, #tpu.memory_space<semaphore_mem>>
    tpu.wait_indirect_dma semaphore(%dma_wait3A_233 : memref<!tpu.dma_semaphore, #tpu.memory_space<semaphore_mem>>) src(%dma_wait3A_231 : memref<100000x128xf32, #tpu.memory_space<hbm>>) dst(%dma_wait3A_226 : memref<128x128xf32, #tpu.memory_space<vmem>>)
    %dma_wait3A_234 = arith.constant 1 : i32
    %dma_wait3A_235 = arith.constant 1 : i32
    %dma_wait3A_236 = arith.constant 0 : i32
    %dma_wait3A_237 = arith.constant 0 : i32
    %dma_wait3A_238 = tpu.memref_slice %arg6[%dma_wait3A_234, %dma_wait3A_236, %dma_wait3A_237] : memref<5x128x128xf32, #tpu.memory_space<vmem>> -> memref<1x128x128xf32, #tpu.memory_space<vmem>>
    %dma_wait3A_239 = tpu.memref_squeeze %dma_wait3A_238 : memref<1x128x128xf32, #tpu.memory_space<vmem>> -> memref<128x128xf32, #tpu.memory_space<vmem>>
    %dma_wait3A_240 = arith.constant 0 : i32
    %dma_wait3A_241 = arith.constant 0 : i32
    %dma_wait3A_242 = tpu.memref_slice %arg4[%dma_wait3A_240, %dma_wait3A_241] : memref<204800x128xf32, #tpu.memory_space<hbm>> -> memref<128x128xf32, #tpu.memory_space<hbm>>
    %dma_wait3A_243 = tpu.memref_slice %arg8[%dma_wait3A_235] : memref<5x!tpu.dma_semaphore, #tpu.memory_space<semaphore_mem>> -> memref<1x!tpu.dma_semaphore, #tpu.memory_space<semaphore_mem>>
    %dma_wait3A_244 = tpu.memref_squeeze %dma_wait3A_243 : memref<1x!tpu.dma_semaphore, #tpu.memory_space<semaphore_mem>> -> memref<!tpu.dma_semaphore, #tpu.memory_space<semaphore_mem>>
    %dma_wait3A_245 = arith.constant 0 : i32
    %dma_wait3A_246 = arith.constant 0 : i32
    %dma_wait3A_247 = tpu.memref_slice %arg4[%dma_wait3A_245, %dma_wait3A_246] : memref<204800x128xf32, #tpu.memory_space<hbm>> -> memref<128x128xf32, #tpu.memory_space<hbm>>
    %dma_wait3A_248 = arith.constant 0 : i32
    %dma_wait3A_249 = arith.constant 0 : i32
    %dma_wait3A_250 = tpu.memref_slice %arg6[%dma_wait3A_234, %dma_wait3A_248, %dma_wait3A_249] : memref<5x128x128xf32, #tpu.memory_space<vmem>> -> memref<1x128x128xf32, #tpu.memory_space<vmem>>
    %dma_wait3A_251 = tpu.memref_squeeze %dma_wait3A_250 : memref<1x128x128xf32, #tpu.memory_space<vmem>> -> memref<128x128xf32, #tpu.memory_space<vmem>>
    tpu.wait_dma2 semaphore(%dma_wait3A_244 : memref<!tpu.dma_semaphore, #tpu.memory_space<semaphore_mem>>) src(%dma_wait3A_251 : memref<128x128xf32, #tpu.memory_space<vmem>>) dst(%dma_wait3A_247 : memref<128x128xf32, #tpu.memory_space<hbm>>)
    %dma_start3A_252 = arith.constant 1 : i32
    %dma_start3A_253 = arith.constant 1 : i32
    %dma_start3A_254 = arith.constant 0 : i32
    %dma_start3A_255 = arith.constant 0 : i32
    %dma_start3A_256 = tpu.memref_slice %arg6[%dma_start3A_252, %dma_start3A_254, %dma_start3A_255] : memref<5x128x128xf32, #tpu.memory_space<vmem>> -> memref<1x128x128xf32, #tpu.memory_space<vmem>>
    %dma_start3A_257 = tpu.memref_squeeze %dma_start3A_256 : memref<1x128x128xf32, #tpu.memory_space<vmem>> -> memref<128x128xf32, #tpu.memory_space<vmem>>
    %dma_start3A_258 = arith.constant 768 : i32
    %dma_start3A_259 = tpu.memref_slice %arg5[%dma_start3A_258] : memref<6400xi32, #tpu.memory_space<vmem>> -> memref<128xi32, #tpu.memory_space<vmem>>
    %dma_start3A_260 = arith.constant 0 : i32
    %dma_start3A_261 = arith.constant 0 : i32
    %dma_start3A_262 = tpu.memref_slice %arg3[%dma_start3A_260, %dma_start3A_261] : memref<100000x128xf32, #tpu.memory_space<hbm>> -> memref<100000x128xf32, #tpu.memory_space<hbm>>
    %dma_start3A_263 = tpu.memref_slice %arg7[%dma_start3A_253] : memref<5x!tpu.dma_semaphore, #tpu.memory_space<semaphore_mem>> -> memref<1x!tpu.dma_semaphore, #tpu.memory_space<semaphore_mem>>
    %dma_start3A_264 = tpu.memref_squeeze %dma_start3A_263 : memref<1x!tpu.dma_semaphore, #tpu.memory_space<semaphore_mem>> -> memref<!tpu.dma_semaphore, #tpu.memory_space<semaphore_mem>>
    tpu.enqueue_indirect_dma source(%dma_start3A_262 : memref<100000x128xf32, #tpu.memory_space<hbm>>) target(%dma_start3A_257 : memref<128x128xf32, #tpu.memory_space<vmem>>) offsets(%dma_start3A_259 : memref<128xi32, #tpu.memory_space<vmem>>) semaphore(%dma_start3A_264 : memref<!tpu.dma_semaphore, #tpu.memory_space<semaphore_mem>>)
    %add3A_265 = arith.constant 512 : i32
    %add3A_266 = arith.addi %mul3A_2, %add3A_265 : i32
    %dma_start3A_267 = arith.constant 4 : i32
    %dma_start3A_268 = arith.constant 4 : i32
    %dma_start3A_269 = arith.constant 0 : i32
    %dma_start3A_270 = arith.constant 0 : i32
    %dma_start3A_271 = tpu.memref_slice %arg6[%dma_start3A_267, %dma_start3A_269, %dma_start3A_270] : memref<5x128x128xf32, #tpu.memory_space<vmem>> -> memref<1x128x128xf32, #tpu.memory_space<vmem>>
    %dma_start3A_272 = tpu.memref_squeeze %dma_start3A_271 : memref<1x128x128xf32, #tpu.memory_space<vmem>> -> memref<128x128xf32, #tpu.memory_space<vmem>>
    %dma_start3A_273 = arith.constant 0 : i32
    %dma_start3A_274 = tpu.memref_slice %arg4[%add3A_266, %dma_start3A_273] : memref<204800x128xf32, #tpu.memory_space<hbm>> -> memref<128x128xf32, #tpu.memory_space<hbm>>
    %dma_start3A_275 = tpu.memref_slice %arg8[%dma_start3A_268] : memref<5x!tpu.dma_semaphore, #tpu.memory_space<semaphore_mem>> -> memref<1x!tpu.dma_semaphore, #tpu.memory_space<semaphore_mem>>
    %dma_start3A_276 = tpu.memref_squeeze %dma_start3A_275 : memref<1x!tpu.dma_semaphore, #tpu.memory_space<semaphore_mem>> -> memref<!tpu.dma_semaphore, #tpu.memory_space<semaphore_mem>>
    %dma_start3A_277 = arith.constant 0 : i32
    %dma_start3A_278 = tpu.memref_slice %arg4[%add3A_266, %dma_start3A_277] : memref<204800x128xf32, #tpu.memory_space<hbm>> -> memref<128x128xf32, #tpu.memory_space<hbm>>
    %dma_start3A_279 = arith.constant 0 : i32
    %dma_start3A_280 = arith.constant 0 : i32
    %dma_start3A_281 = tpu.memref_slice %arg6[%dma_start3A_267, %dma_start3A_279, %dma_start3A_280] : memref<5x128x128xf32, #tpu.memory_space<vmem>> -> memref<1x128x128xf32, #tpu.memory_space<vmem>>
    %dma_start3A_282 = tpu.memref_squeeze %dma_start3A_281 : memref<1x128x128xf32, #tpu.memory_space<vmem>> -> memref<128x128xf32, #tpu.memory_space<vmem>>
    tpu.enqueue_dma source(%dma_start3A_282 : memref<128x128xf32, #tpu.memory_space<vmem>>) target(%dma_start3A_278 : memref<128x128xf32, #tpu.memory_space<hbm>>) target_semaphore(%dma_start3A_276 : memref<!tpu.dma_semaphore, #tpu.memory_space<semaphore_mem>>)
    %scan3A = arith.constant 0 : i32
    %scan3A_283 = arith.constant 1 : i32
    %scan3A_284 = arith.constant 8 : i32
    %scan3A_285 = arith.addi %scan3A_283, %scan3A_284 : i32
    %scan3A_286 = arith.constant 1 : i32
    scf.for %scan3A_626 = %scan3A_283 to %scan3A_285 step %scan3A_286  : i32 {
      %mul3A_627 = arith.constant 5 : i32
      %mul3A_628 = arith.muli %scan3A_626, %mul3A_627 : i32
      %add3A_629 = arith.constant 0 : i32
      %add3A_630 = arith.addi %mul3A_628, %add3A_629 : i32
      %dma_wait3A_631 = arith.constant 0 : i32
      %dma_wait3A_632 = arith.constant 0 : i32
      %dma_wait3A_633 = arith.constant 0 : i32
      %dma_wait3A_634 = arith.constant 0 : i32
      %dma_wait3A_635 = tpu.memref_slice %arg6[%dma_wait3A_631, %dma_wait3A_633, %dma_wait3A_634] : memref<5x128x128xf32, #tpu.memory_space<vmem>> -> memref<1x128x128xf32, #tpu.memory_space<vmem>>
      %dma_wait3A_636 = tpu.memref_squeeze %dma_wait3A_635 : memref<1x128x128xf32, #tpu.memory_space<vmem>> -> memref<128x128xf32, #tpu.memory_space<vmem>>
      %dma_wait3A_637 = arith.constant 0 : i32
      %dma_wait3A_638 = tpu.memref_slice %arg5[%dma_wait3A_637] : memref<6400xi32, #tpu.memory_space<vmem>> -> memref<128xi32, #tpu.memory_space<vmem>>
      %dma_wait3A_639 = arith.constant 0 : i32
      %dma_wait3A_640 = arith.constant 0 : i32
      %dma_wait3A_641 = tpu.memref_slice %arg3[%dma_wait3A_639, %dma_wait3A_640] : memref<100000x128xf32, #tpu.memory_space<hbm>> -> memref<100000x128xf32, #tpu.memory_space<hbm>>
      %dma_wait3A_642 = tpu.memref_slice %arg7[%dma_wait3A_632] : memref<5x!tpu.dma_semaphore, #tpu.memory_space<semaphore_mem>> -> memref<1x!tpu.dma_semaphore, #tpu.memory_space<semaphore_mem>>
      %dma_wait3A_643 = tpu.memref_squeeze %dma_wait3A_642 : memref<1x!tpu.dma_semaphore, #tpu.memory_space<semaphore_mem>> -> memref<!tpu.dma_semaphore, #tpu.memory_space<semaphore_mem>>
      tpu.wait_indirect_dma semaphore(%dma_wait3A_643 : memref<!tpu.dma_semaphore, #tpu.memory_space<semaphore_mem>>) src(%dma_wait3A_641 : memref<100000x128xf32, #tpu.memory_space<hbm>>) dst(%dma_wait3A_636 : memref<128x128xf32, #tpu.memory_space<vmem>>)
      %dma_wait3A_644 = arith.constant 2 : i32
      %dma_wait3A_645 = arith.constant 2 : i32
      %dma_wait3A_646 = arith.constant 0 : i32
      %dma_wait3A_647 = arith.constant 0 : i32
      %dma_wait3A_648 = tpu.memref_slice %arg6[%dma_wait3A_644, %dma_wait3A_646, %dma_wait3A_647] : memref<5x128x128xf32, #tpu.memory_space<vmem>> -> memref<1x128x128xf32, #tpu.memory_space<vmem>>
      %dma_wait3A_649 = tpu.memref_squeeze %dma_wait3A_648 : memref<1x128x128xf32, #tpu.memory_space<vmem>> -> memref<128x128xf32, #tpu.memory_space<vmem>>
      %dma_wait3A_650 = arith.constant 0 : i32
      %dma_wait3A_651 = arith.constant 0 : i32
      %dma_wait3A_652 = tpu.memref_slice %arg4[%dma_wait3A_650, %dma_wait3A_651] : memref<204800x128xf32, #tpu.memory_space<hbm>> -> memref<128x128xf32, #tpu.memory_space<hbm>>
      %dma_wait3A_653 = tpu.memref_slice %arg8[%dma_wait3A_645] : memref<5x!tpu.dma_semaphore, #tpu.memory_space<semaphore_mem>> -> memref<1x!tpu.dma_semaphore, #tpu.memory_space<semaphore_mem>>
      %dma_wait3A_654 = tpu.memref_squeeze %dma_wait3A_653 : memref<1x!tpu.dma_semaphore, #tpu.memory_space<semaphore_mem>> -> memref<!tpu.dma_semaphore, #tpu.memory_space<semaphore_mem>>
      %dma_wait3A_655 = arith.constant 0 : i32
      %dma_wait3A_656 = arith.constant 0 : i32
      %dma_wait3A_657 = tpu.memref_slice %arg4[%dma_wait3A_655, %dma_wait3A_656] : memref<204800x128xf32, #tpu.memory_space<hbm>> -> memref<128x128xf32, #tpu.memory_space<hbm>>
      %dma_wait3A_658 = arith.constant 0 : i32
      %dma_wait3A_659 = arith.constant 0 : i32
      %dma_wait3A_660 = tpu.memref_slice %arg6[%dma_wait3A_644, %dma_wait3A_658, %dma_wait3A_659] : memref<5x128x128xf32, #tpu.memory_space<vmem>> -> memref<1x128x128xf32, #tpu.memory_space<vmem>>
      %dma_wait3A_661 = tpu.memref_squeeze %dma_wait3A_660 : memref<1x128x128xf32, #tpu.memory_space<vmem>> -> memref<128x128xf32, #tpu.memory_space<vmem>>
      tpu.wait_dma2 semaphore(%dma_wait3A_654 : memref<!tpu.dma_semaphore, #tpu.memory_space<semaphore_mem>>) src(%dma_wait3A_661 : memref<128x128xf32, #tpu.memory_space<vmem>>) dst(%dma_wait3A_657 : memref<128x128xf32, #tpu.memory_space<hbm>>)
      %add3A_662 = arith.constant 2 : i32
      %add3A_663 = arith.addi %add3A_630, %add3A_662 : i32
      %mul3A_664 = arith.constant 128 : i32
      %mul3A_665 = arith.muli %add3A_663, %mul3A_664 : i32
      %dma_start3A_666 = arith.constant 2 : i32
      %dma_start3A_667 = arith.constant 2 : i32
      %dma_start3A_668 = arith.constant 0 : i32
      %dma_start3A_669 = arith.constant 0 : i32
      %dma_start3A_670 = tpu.memref_slice %arg6[%dma_start3A_666, %dma_start3A_668, %dma_start3A_669] : memref<5x128x128xf32, #tpu.memory_space<vmem>> -> memref<1x128x128xf32, #tpu.memory_space<vmem>>
      %dma_start3A_671 = tpu.memref_squeeze %dma_start3A_670 : memref<1x128x128xf32, #tpu.memory_space<vmem>> -> memref<128x128xf32, #tpu.memory_space<vmem>>
      %dma_start3A_672 = tpu.memref_slice %arg5[%mul3A_665] : memref<6400xi32, #tpu.memory_space<vmem>> -> memref<128xi32, #tpu.memory_space<vmem>>
      %dma_start3A_673 = arith.constant 0 : i32
      %dma_start3A_674 = arith.constant 0 : i32
      %dma_start3A_675 = tpu.memref_slice %arg3[%dma_start3A_673, %dma_start3A_674] : memref<100000x128xf32, #tpu.memory_space<hbm>> -> memref<100000x128xf32, #tpu.memory_space<hbm>>
      %dma_start3A_676 = tpu.memref_slice %arg7[%dma_start3A_667] : memref<5x!tpu.dma_semaphore, #tpu.memory_space<semaphore_mem>> -> memref<1x!tpu.dma_semaphore, #tpu.memory_space<semaphore_mem>>
      %dma_start3A_677 = tpu.memref_squeeze %dma_start3A_676 : memref<1x!tpu.dma_semaphore, #tpu.memory_space<semaphore_mem>> -> memref<!tpu.dma_semaphore, #tpu.memory_space<semaphore_mem>>
      tpu.enqueue_indirect_dma source(%dma_start3A_675 : memref<100000x128xf32, #tpu.memory_space<hbm>>) target(%dma_start3A_671 : memref<128x128xf32, #tpu.memory_space<vmem>>) offsets(%dma_start3A_672 : memref<128xi32, #tpu.memory_space<vmem>>) semaphore(%dma_start3A_677 : memref<!tpu.dma_semaphore, #tpu.memory_space<semaphore_mem>>)
      %mul3A_678 = arith.constant 128 : i32
      %mul3A_679 = arith.muli %add3A_630, %mul3A_678 : i32
      %add3A_680 = arith.addi %mul3A_2, %mul3A_679 : i32
      %dma_start3A_681 = arith.constant 0 : i32
      %dma_start3A_682 = arith.constant 0 : i32
      %dma_start3A_683 = arith.constant 0 : i32
      %dma_start3A_684 = arith.constant 0 : i32
      %dma_start3A_685 = tpu.memref_slice %arg6[%dma_start3A_681, %dma_start3A_683, %dma_start3A_684] : memref<5x128x128xf32, #tpu.memory_space<vmem>> -> memref<1x128x128xf32, #tpu.memory_space<vmem>>
      %dma_start3A_686 = tpu.memref_squeeze %dma_start3A_685 : memref<1x128x128xf32, #tpu.memory_space<vmem>> -> memref<128x128xf32, #tpu.memory_space<vmem>>
      %dma_start3A_687 = arith.constant 0 : i32
      %dma_start3A_688 = tpu.memref_slice %arg4[%add3A_680, %dma_start3A_687] : memref<204800x128xf32, #tpu.memory_space<hbm>> -> memref<128x128xf32, #tpu.memory_space<hbm>>
      %dma_start3A_689 = tpu.memref_slice %arg8[%dma_start3A_682] : memref<5x!tpu.dma_semaphore, #tpu.memory_space<semaphore_mem>> -> memref<1x!tpu.dma_semaphore, #tpu.memory_space<semaphore_mem>>
      %dma_start3A_690 = tpu.memref_squeeze %dma_start3A_689 : memref<1x!tpu.dma_semaphore, #tpu.memory_space<semaphore_mem>> -> memref<!tpu.dma_semaphore, #tpu.memory_space<semaphore_mem>>
      %dma_start3A_691 = arith.constant 0 : i32
      %dma_start3A_692 = tpu.memref_slice %arg4[%add3A_680, %dma_start3A_691] : memref<204800x128xf32, #tpu.memory_space<hbm>> -> memref<128x128xf32, #tpu.memory_space<hbm>>
      %dma_start3A_693 = arith.constant 0 : i32
      %dma_start3A_694 = arith.constant 0 : i32
      %dma_start3A_695 = tpu.memref_slice %arg6[%dma_start3A_681, %dma_start3A_693, %dma_start3A_694] : memref<5x128x128xf32, #tpu.memory_space<vmem>> -> memref<1x128x128xf32, #tpu.memory_space<vmem>>
      %dma_start3A_696 = tpu.memref_squeeze %dma_start3A_695 : memref<1x128x128xf32, #tpu.memory_space<vmem>> -> memref<128x128xf32, #tpu.memory_space<vmem>>
      tpu.enqueue_dma source(%dma_start3A_696 : memref<128x128xf32, #tpu.memory_space<vmem>>) target(%dma_start3A_692 : memref<128x128xf32, #tpu.memory_space<hbm>>) target_semaphore(%dma_start3A_690 : memref<!tpu.dma_semaphore, #tpu.memory_space<semaphore_mem>>)
      %mul3A_697 = arith.constant 5 : i32
      %mul3A_698 = arith.muli %scan3A_626, %mul3A_697 : i32
      %add3A_699 = arith.constant 1 : i32
      %add3A_700 = arith.addi %mul3A_698, %add3A_699 : i32
      %dma_wait3A_701 = arith.constant 1 : i32
      %dma_wait3A_702 = arith.constant 1 : i32
      %dma_wait3A_703 = arith.constant 0 : i32
      %dma_wait3A_704 = arith.constant 0 : i32
      %dma_wait3A_705 = tpu.memref_slice %arg6[%dma_wait3A_701, %dma_wait3A_703, %dma_wait3A_704] : memref<5x128x128xf32, #tpu.memory_space<vmem>> -> memref<1x128x128xf32, #tpu.memory_space<vmem>>
      %dma_wait3A_706 = tpu.memref_squeeze %dma_wait3A_705 : memref<1x128x128xf32, #tpu.memory_space<vmem>> -> memref<128x128xf32, #tpu.memory_space<vmem>>
      %dma_wait3A_707 = arith.constant 0 : i32
      %dma_wait3A_708 = tpu.memref_slice %arg5[%dma_wait3A_707] : memref<6400xi32, #tpu.memory_space<vmem>> -> memref<128xi32, #tpu.memory_space<vmem>>
      %dma_wait3A_709 = arith.constant 0 : i32
      %dma_wait3A_710 = arith.constant 0 : i32
      %dma_wait3A_711 = tpu.memref_slice %arg3[%dma_wait3A_709, %dma_wait3A_710] : memref<100000x128xf32, #tpu.memory_space<hbm>> -> memref<100000x128xf32, #tpu.memory_space<hbm>>
      %dma_wait3A_712 = tpu.memref_slice %arg7[%dma_wait3A_702] : memref<5x!tpu.dma_semaphore, #tpu.memory_space<semaphore_mem>> -> memref<1x!tpu.dma_semaphore, #tpu.memory_space<semaphore_mem>>
      %dma_wait3A_713 = tpu.memref_squeeze %dma_wait3A_712 : memref<1x!tpu.dma_semaphore, #tpu.memory_space<semaphore_mem>> -> memref<!tpu.dma_semaphore, #tpu.memory_space<semaphore_mem>>
      tpu.wait_indirect_dma semaphore(%dma_wait3A_713 : memref<!tpu.dma_semaphore, #tpu.memory_space<semaphore_mem>>) src(%dma_wait3A_711 : memref<100000x128xf32, #tpu.memory_space<hbm>>) dst(%dma_wait3A_706 : memref<128x128xf32, #tpu.memory_space<vmem>>)
      %dma_wait3A_714 = arith.constant 3 : i32
      %dma_wait3A_715 = arith.constant 3 : i32
      %dma_wait3A_716 = arith.constant 0 : i32
      %dma_wait3A_717 = arith.constant 0 : i32
      %dma_wait3A_718 = tpu.memref_slice %arg6[%dma_wait3A_714, %dma_wait3A_716, %dma_wait3A_717] : memref<5x128x128xf32, #tpu.memory_space<vmem>> -> memref<1x128x128xf32, #tpu.memory_space<vmem>>
      %dma_wait3A_719 = tpu.memref_squeeze %dma_wait3A_718 : memref<1x128x128xf32, #tpu.memory_space<vmem>> -> memref<128x128xf32, #tpu.memory_space<vmem>>
      %dma_wait3A_720 = arith.constant 0 : i32
      %dma_wait3A_721 = arith.constant 0 : i32
      %dma_wait3A_722 = tpu.memref_slice %arg4[%dma_wait3A_720, %dma_wait3A_721] : memref<204800x128xf32, #tpu.memory_space<hbm>> -> memref<128x128xf32, #tpu.memory_space<hbm>>
      %dma_wait3A_723 = tpu.memref_slice %arg8[%dma_wait3A_715] : memref<5x!tpu.dma_semaphore, #tpu.memory_space<semaphore_mem>> -> memref<1x!tpu.dma_semaphore, #tpu.memory_space<semaphore_mem>>
      %dma_wait3A_724 = tpu.memref_squeeze %dma_wait3A_723 : memref<1x!tpu.dma_semaphore, #tpu.memory_space<semaphore_mem>> -> memref<!tpu.dma_semaphore, #tpu.memory_space<semaphore_mem>>
      %dma_wait3A_725 = arith.constant 0 : i32
      %dma_wait3A_726 = arith.constant 0 : i32
      %dma_wait3A_727 = tpu.memref_slice %arg4[%dma_wait3A_725, %dma_wait3A_726] : memref<204800x128xf32, #tpu.memory_space<hbm>> -> memref<128x128xf32, #tpu.memory_space<hbm>>
      %dma_wait3A_728 = arith.constant 0 : i32
      %dma_wait3A_729 = arith.constant 0 : i32
      %dma_wait3A_730 = tpu.memref_slice %arg6[%dma_wait3A_714, %dma_wait3A_728, %dma_wait3A_729] : memref<5x128x128xf32, #tpu.memory_space<vmem>> -> memref<1x128x128xf32, #tpu.memory_space<vmem>>
      %dma_wait3A_731 = tpu.memref_squeeze %dma_wait3A_730 : memref<1x128x128xf32, #tpu.memory_space<vmem>> -> memref<128x128xf32, #tpu.memory_space<vmem>>
      tpu.wait_dma2 semaphore(%dma_wait3A_724 : memref<!tpu.dma_semaphore, #tpu.memory_space<semaphore_mem>>) src(%dma_wait3A_731 : memref<128x128xf32, #tpu.memory_space<vmem>>) dst(%dma_wait3A_727 : memref<128x128xf32, #tpu.memory_space<hbm>>)
      %add3A_732 = arith.constant 2 : i32
      %add3A_733 = arith.addi %add3A_700, %add3A_732 : i32
      %mul3A_734 = arith.constant 128 : i32
      %mul3A_735 = arith.muli %add3A_733, %mul3A_734 : i32
      %dma_start3A_736 = arith.constant 3 : i32
      %dma_start3A_737 = arith.constant 3 : i32
      %dma_start3A_738 = arith.constant 0 : i32
      %dma_start3A_739 = arith.constant 0 : i32
      %dma_start3A_740 = tpu.memref_slice %arg6[%dma_start3A_736, %dma_start3A_738, %dma_start3A_739] : memref<5x128x128xf32, #tpu.memory_space<vmem>> -> memref<1x128x128xf32, #tpu.memory_space<vmem>>
      %dma_start3A_741 = tpu.memref_squeeze %dma_start3A_740 : memref<1x128x128xf32, #tpu.memory_space<vmem>> -> memref<128x128xf32, #tpu.memory_space<vmem>>
      %dma_start3A_742 = tpu.memref_slice %arg5[%mul3A_735] : memref<6400xi32, #tpu.memory_space<vmem>> -> memref<128xi32, #tpu.memory_space<vmem>>
      %dma_start3A_743 = arith.constant 0 : i32
      %dma_start3A_744 = arith.constant 0 : i32
      %dma_start3A_745 = tpu.memref_slice %arg3[%dma_start3A_743, %dma_start3A_744] : memref<100000x128xf32, #tpu.memory_space<hbm>> -> memref<100000x128xf32, #tpu.memory_space<hbm>>
      %dma_start3A_746 = tpu.memref_slice %arg7[%dma_start3A_737] : memref<5x!tpu.dma_semaphore, #tpu.memory_space<semaphore_mem>> -> memref<1x!tpu.dma_semaphore, #tpu.memory_space<semaphore_mem>>
      %dma_start3A_747 = tpu.memref_squeeze %dma_start3A_746 : memref<1x!tpu.dma_semaphore, #tpu.memory_space<semaphore_mem>> -> memref<!tpu.dma_semaphore, #tpu.memory_space<semaphore_mem>>
      tpu.enqueue_indirect_dma source(%dma_start3A_745 : memref<100000x128xf32, #tpu.memory_space<hbm>>) target(%dma_start3A_741 : memref<128x128xf32, #tpu.memory_space<vmem>>) offsets(%dma_start3A_742 : memref<128xi32, #tpu.memory_space<vmem>>) semaphore(%dma_start3A_747 : memref<!tpu.dma_semaphore, #tpu.memory_space<semaphore_mem>>)
      %mul3A_748 = arith.constant 128 : i32
      %mul3A_749 = arith.muli %add3A_700, %mul3A_748 : i32
      %add3A_750 = arith.addi %mul3A_2, %mul3A_749 : i32
      %dma_start3A_751 = arith.constant 1 : i32
      %dma_start3A_752 = arith.constant 1 : i32
      %dma_start3A_753 = arith.constant 0 : i32
      %dma_start3A_754 = arith.constant 0 : i32
      %dma_start3A_755 = tpu.memref_slice %arg6[%dma_start3A_751, %dma_start3A_753, %dma_start3A_754] : memref<5x128x128xf32, #tpu.memory_space<vmem>> -> memref<1x128x128xf32, #tpu.memory_space<vmem>>
      %dma_start3A_756 = tpu.memref_squeeze %dma_start3A_755 : memref<1x128x128xf32, #tpu.memory_space<vmem>> -> memref<128x128xf32, #tpu.memory_space<vmem>>
      %dma_start3A_757 = arith.constant 0 : i32
      %dma_start3A_758 = tpu.memref_slice %arg4[%add3A_750, %dma_start3A_757] : memref<204800x128xf32, #tpu.memory_space<hbm>> -> memref<128x128xf32, #tpu.memory_space<hbm>>
      %dma_start3A_759 = tpu.memref_slice %arg8[%dma_start3A_752] : memref<5x!tpu.dma_semaphore, #tpu.memory_space<semaphore_mem>> -> memref<1x!tpu.dma_semaphore, #tpu.memory_space<semaphore_mem>>
      %dma_start3A_760 = tpu.memref_squeeze %dma_start3A_759 : memref<1x!tpu.dma_semaphore, #tpu.memory_space<semaphore_mem>> -> memref<!tpu.dma_semaphore, #tpu.memory_space<semaphore_mem>>
      %dma_start3A_761 = arith.constant 0 : i32
      %dma_start3A_762 = tpu.memref_slice %arg4[%add3A_750, %dma_start3A_761] : memref<204800x128xf32, #tpu.memory_space<hbm>> -> memref<128x128xf32, #tpu.memory_space<hbm>>
      %dma_start3A_763 = arith.constant 0 : i32
      %dma_start3A_764 = arith.constant 0 : i32
      %dma_start3A_765 = tpu.memref_slice %arg6[%dma_start3A_751, %dma_start3A_763, %dma_start3A_764] : memref<5x128x128xf32, #tpu.memory_space<vmem>> -> memref<1x128x128xf32, #tpu.memory_space<vmem>>
      %dma_start3A_766 = tpu.memref_squeeze %dma_start3A_765 : memref<1x128x128xf32, #tpu.memory_space<vmem>> -> memref<128x128xf32, #tpu.memory_space<vmem>>
      tpu.enqueue_dma source(%dma_start3A_766 : memref<128x128xf32, #tpu.memory_space<vmem>>) target(%dma_start3A_762 : memref<128x128xf32, #tpu.memory_space<hbm>>) target_semaphore(%dma_start3A_760 : memref<!tpu.dma_semaphore, #tpu.memory_space<semaphore_mem>>)
      %mul3A_767 = arith.constant 5 : i32
      %mul3A_768 = arith.muli %scan3A_626, %mul3A_767 : i32
      %add3A_769 = arith.constant 2 : i32
      %add3A_770 = arith.addi %mul3A_768, %add3A_769 : i32
      %dma_wait3A_771 = arith.constant 2 : i32
      %dma_wait3A_772 = arith.constant 2 : i32
      %dma_wait3A_773 = arith.constant 0 : i32
      %dma_wait3A_774 = arith.constant 0 : i32
      %dma_wait3A_775 = tpu.memref_slice %arg6[%dma_wait3A_771, %dma_wait3A_773, %dma_wait3A_774] : memref<5x128x128xf32, #tpu.memory_space<vmem>> -> memref<1x128x128xf32, #tpu.memory_space<vmem>>
      %dma_wait3A_776 = tpu.memref_squeeze %dma_wait3A_775 : memref<1x128x128xf32, #tpu.memory_space<vmem>> -> memref<128x128xf32, #tpu.memory_space<vmem>>
      %dma_wait3A_777 = arith.constant 0 : i32
      %dma_wait3A_778 = tpu.memref_slice %arg5[%dma_wait3A_777] : memref<6400xi32, #tpu.memory_space<vmem>> -> memref<128xi32, #tpu.memory_space<vmem>>
      %dma_wait3A_779 = arith.constant 0 : i32
      %dma_wait3A_780 = arith.constant 0 : i32
      %dma_wait3A_781 = tpu.memref_slice %arg3[%dma_wait3A_779, %dma_wait3A_780] : memref<100000x128xf32, #tpu.memory_space<hbm>> -> memref<100000x128xf32, #tpu.memory_space<hbm>>
      %dma_wait3A_782 = tpu.memref_slice %arg7[%dma_wait3A_772] : memref<5x!tpu.dma_semaphore, #tpu.memory_space<semaphore_mem>> -> memref<1x!tpu.dma_semaphore, #tpu.memory_space<semaphore_mem>>
      %dma_wait3A_783 = tpu.memref_squeeze %dma_wait3A_782 : memref<1x!tpu.dma_semaphore, #tpu.memory_space<semaphore_mem>> -> memref<!tpu.dma_semaphore, #tpu.memory_space<semaphore_mem>>
      tpu.wait_indirect_dma semaphore(%dma_wait3A_783 : memref<!tpu.dma_semaphore, #tpu.memory_space<semaphore_mem>>) src(%dma_wait3A_781 : memref<100000x128xf32, #tpu.memory_space<hbm>>) dst(%dma_wait3A_776 : memref<128x128xf32, #tpu.memory_space<vmem>>)
      %dma_wait3A_784 = arith.constant 4 : i32
      %dma_wait3A_785 = arith.constant 4 : i32
      %dma_wait3A_786 = arith.constant 0 : i32
      %dma_wait3A_787 = arith.constant 0 : i32
      %dma_wait3A_788 = tpu.memref_slice %arg6[%dma_wait3A_784, %dma_wait3A_786, %dma_wait3A_787] : memref<5x128x128xf32, #tpu.memory_space<vmem>> -> memref<1x128x128xf32, #tpu.memory_space<vmem>>
      %dma_wait3A_789 = tpu.memref_squeeze %dma_wait3A_788 : memref<1x128x128xf32, #tpu.memory_space<vmem>> -> memref<128x128xf32, #tpu.memory_space<vmem>>
      %dma_wait3A_790 = arith.constant 0 : i32
      %dma_wait3A_791 = arith.constant 0 : i32
      %dma_wait3A_792 = tpu.memref_slice %arg4[%dma_wait3A_790, %dma_wait3A_791] : memref<204800x128xf32, #tpu.memory_space<hbm>> -> memref<128x128xf32, #tpu.memory_space<hbm>>
      %dma_wait3A_793 = tpu.memref_slice %arg8[%dma_wait3A_785] : memref<5x!tpu.dma_semaphore, #tpu.memory_space<semaphore_mem>> -> memref<1x!tpu.dma_semaphore, #tpu.memory_space<semaphore_mem>>
      %dma_wait3A_794 = tpu.memref_squeeze %dma_wait3A_793 : memref<1x!tpu.dma_semaphore, #tpu.memory_space<semaphore_mem>> -> memref<!tpu.dma_semaphore, #tpu.memory_space<semaphore_mem>>
      %dma_wait3A_795 = arith.constant 0 : i32
      %dma_wait3A_796 = arith.constant 0 : i32
      %dma_wait3A_797 = tpu.memref_slice %arg4[%dma_wait3A_795, %dma_wait3A_796] : memref<204800x128xf32, #tpu.memory_space<hbm>> -> memref<128x128xf32, #tpu.memory_space<hbm>>
      %dma_wait3A_798 = arith.constant 0 : i32
      %dma_wait3A_799 = arith.constant 0 : i32
      %dma_wait3A_800 = tpu.memref_slice %arg6[%dma_wait3A_784, %dma_wait3A_798, %dma_wait3A_799] : memref<5x128x128xf32, #tpu.memory_space<vmem>> -> memref<1x128x128xf32, #tpu.memory_space<vmem>>
      %dma_wait3A_801 = tpu.memref_squeeze %dma_wait3A_800 : memref<1x128x128xf32, #tpu.memory_space<vmem>> -> memref<128x128xf32, #tpu.memory_space<vmem>>
      tpu.wait_dma2 semaphore(%dma_wait3A_794 : memref<!tpu.dma_semaphore, #tpu.memory_space<semaphore_mem>>) src(%dma_wait3A_801 : memref<128x128xf32, #tpu.memory_space<vmem>>) dst(%dma_wait3A_797 : memref<128x128xf32, #tpu.memory_space<hbm>>)
      %add3A_802 = arith.constant 2 : i32
      %add3A_803 = arith.addi %add3A_770, %add3A_802 : i32
      %mul3A_804 = arith.constant 128 : i32
      %mul3A_805 = arith.muli %add3A_803, %mul3A_804 : i32
      %dma_start3A_806 = arith.constant 4 : i32
      %dma_start3A_807 = arith.constant 4 : i32
      %dma_start3A_808 = arith.constant 0 : i32
      %dma_start3A_809 = arith.constant 0 : i32
      %dma_start3A_810 = tpu.memref_slice %arg6[%dma_start3A_806, %dma_start3A_808, %dma_start3A_809] : memref<5x128x128xf32, #tpu.memory_space<vmem>> -> memref<1x128x128xf32, #tpu.memory_space<vmem>>
      %dma_start3A_811 = tpu.memref_squeeze %dma_start3A_810 : memref<1x128x128xf32, #tpu.memory_space<vmem>> -> memref<128x128xf32, #tpu.memory_space<vmem>>
      %dma_start3A_812 = tpu.memref_slice %arg5[%mul3A_805] : memref<6400xi32, #tpu.memory_space<vmem>> -> memref<128xi32, #tpu.memory_space<vmem>>
      %dma_start3A_813 = arith.constant 0 : i32
      %dma_start3A_814 = arith.constant 0 : i32
      %dma_start3A_815 = tpu.memref_slice %arg3[%dma_start3A_813, %dma_start3A_814] : memref<100000x128xf32, #tpu.memory_space<hbm>> -> memref<100000x128xf32, #tpu.memory_space<hbm>>
      %dma_start3A_816 = tpu.memref_slice %arg7[%dma_start3A_807] : memref<5x!tpu.dma_semaphore, #tpu.memory_space<semaphore_mem>> -> memref<1x!tpu.dma_semaphore, #tpu.memory_space<semaphore_mem>>
      %dma_start3A_817 = tpu.memref_squeeze %dma_start3A_816 : memref<1x!tpu.dma_semaphore, #tpu.memory_space<semaphore_mem>> -> memref<!tpu.dma_semaphore, #tpu.memory_space<semaphore_mem>>
      tpu.enqueue_indirect_dma source(%dma_start3A_815 : memref<100000x128xf32, #tpu.memory_space<hbm>>) target(%dma_start3A_811 : memref<128x128xf32, #tpu.memory_space<vmem>>) offsets(%dma_start3A_812 : memref<128xi32, #tpu.memory_space<vmem>>) semaphore(%dma_start3A_817 : memref<!tpu.dma_semaphore, #tpu.memory_space<semaphore_mem>>)
      %mul3A_818 = arith.constant 128 : i32
      %mul3A_819 = arith.muli %add3A_770, %mul3A_818 : i32
      %add3A_820 = arith.addi %mul3A_2, %mul3A_819 : i32
      %dma_start3A_821 = arith.constant 2 : i32
      %dma_start3A_822 = arith.constant 2 : i32
      %dma_start3A_823 = arith.constant 0 : i32
      %dma_start3A_824 = arith.constant 0 : i32
      %dma_start3A_825 = tpu.memref_slice %arg6[%dma_start3A_821, %dma_start3A_823, %dma_start3A_824] : memref<5x128x128xf32, #tpu.memory_space<vmem>> -> memref<1x128x128xf32, #tpu.memory_space<vmem>>
      %dma_start3A_826 = tpu.memref_squeeze %dma_start3A_825 : memref<1x128x128xf32, #tpu.memory_space<vmem>> -> memref<128x128xf32, #tpu.memory_space<vmem>>
      %dma_start3A_827 = arith.constant 0 : i32
      %dma_start3A_828 = tpu.memref_slice %arg4[%add3A_820, %dma_start3A_827] : memref<204800x128xf32, #tpu.memory_space<hbm>> -> memref<128x128xf32, #tpu.memory_space<hbm>>
      %dma_start3A_829 = tpu.memref_slice %arg8[%dma_start3A_822] : memref<5x!tpu.dma_semaphore, #tpu.memory_space<semaphore_mem>> -> memref<1x!tpu.dma_semaphore, #tpu.memory_space<semaphore_mem>>
      %dma_start3A_830 = tpu.memref_squeeze %dma_start3A_829 : memref<1x!tpu.dma_semaphore, #tpu.memory_space<semaphore_mem>> -> memref<!tpu.dma_semaphore, #tpu.memory_space<semaphore_mem>>
      %dma_start3A_831 = arith.constant 0 : i32
      %dma_start3A_832 = tpu.memref_slice %arg4[%add3A_820, %dma_start3A_831] : memref<204800x128xf32, #tpu.memory_space<hbm>> -> memref<128x128xf32, #tpu.memory_space<hbm>>
      %dma_start3A_833 = arith.constant 0 : i32
      %dma_start3A_834 = arith.constant 0 : i32
      %dma_start3A_835 = tpu.memref_slice %arg6[%dma_start3A_821, %dma_start3A_833, %dma_start3A_834] : memref<5x128x128xf32, #tpu.memory_space<vmem>> -> memref<1x128x128xf32, #tpu.memory_space<vmem>>
      %dma_start3A_836 = tpu.memref_squeeze %dma_start3A_835 : memref<1x128x128xf32, #tpu.memory_space<vmem>> -> memref<128x128xf32, #tpu.memory_space<vmem>>
      tpu.enqueue_dma source(%dma_start3A_836 : memref<128x128xf32, #tpu.memory_space<vmem>>) target(%dma_start3A_832 : memref<128x128xf32, #tpu.memory_space<hbm>>) target_semaphore(%dma_start3A_830 : memref<!tpu.dma_semaphore, #tpu.memory_space<semaphore_mem>>)
      %mul3A_837 = arith.constant 5 : i32
      %mul3A_838 = arith.muli %scan3A_626, %mul3A_837 : i32
      %add3A_839 = arith.constant 3 : i32
      %add3A_840 = arith.addi %mul3A_838, %add3A_839 : i32
      %dma_wait3A_841 = arith.constant 3 : i32
      %dma_wait3A_842 = arith.constant 3 : i32
      %dma_wait3A_843 = arith.constant 0 : i32
      %dma_wait3A_844 = arith.constant 0 : i32
      %dma_wait3A_845 = tpu.memref_slice %arg6[%dma_wait3A_841, %dma_wait3A_843, %dma_wait3A_844] : memref<5x128x128xf32, #tpu.memory_space<vmem>> -> memref<1x128x128xf32, #tpu.memory_space<vmem>>
      %dma_wait3A_846 = tpu.memref_squeeze %dma_wait3A_845 : memref<1x128x128xf32, #tpu.memory_space<vmem>> -> memref<128x128xf32, #tpu.memory_space<vmem>>
      %dma_wait3A_847 = arith.constant 0 : i32
      %dma_wait3A_848 = tpu.memref_slice %arg5[%dma_wait3A_847] : memref<6400xi32, #tpu.memory_space<vmem>> -> memref<128xi32, #tpu.memory_space<vmem>>
      %dma_wait3A_849 = arith.constant 0 : i32
      %dma_wait3A_850 = arith.constant 0 : i32
      %dma_wait3A_851 = tpu.memref_slice %arg3[%dma_wait3A_849, %dma_wait3A_850] : memref<100000x128xf32, #tpu.memory_space<hbm>> -> memref<100000x128xf32, #tpu.memory_space<hbm>>
      %dma_wait3A_852 = tpu.memref_slice %arg7[%dma_wait3A_842] : memref<5x!tpu.dma_semaphore, #tpu.memory_space<semaphore_mem>> -> memref<1x!tpu.dma_semaphore, #tpu.memory_space<semaphore_mem>>
      %dma_wait3A_853 = tpu.memref_squeeze %dma_wait3A_852 : memref<1x!tpu.dma_semaphore, #tpu.memory_space<semaphore_mem>> -> memref<!tpu.dma_semaphore, #tpu.memory_space<semaphore_mem>>
      tpu.wait_indirect_dma semaphore(%dma_wait3A_853 : memref<!tpu.dma_semaphore, #tpu.memory_space<semaphore_mem>>) src(%dma_wait3A_851 : memref<100000x128xf32, #tpu.memory_space<hbm>>) dst(%dma_wait3A_846 : memref<128x128xf32, #tpu.memory_space<vmem>>)
      %dma_wait3A_854 = arith.constant 0 : i32
      %dma_wait3A_855 = arith.constant 0 : i32
      %dma_wait3A_856 = arith.constant 0 : i32
      %dma_wait3A_857 = arith.constant 0 : i32
      %dma_wait3A_858 = tpu.memref_slice %arg6[%dma_wait3A_854, %dma_wait3A_856, %dma_wait3A_857] : memref<5x128x128xf32, #tpu.memory_space<vmem>> -> memref<1x128x128xf32, #tpu.memory_space<vmem>>
      %dma_wait3A_859 = tpu.memref_squeeze %dma_wait3A_858 : memref<1x128x128xf32, #tpu.memory_space<vmem>> -> memref<128x128xf32, #tpu.memory_space<vmem>>
      %dma_wait3A_860 = arith.constant 0 : i32
      %dma_wait3A_861 = arith.constant 0 : i32
      %dma_wait3A_862 = tpu.memref_slice %arg4[%dma_wait3A_860, %dma_wait3A_861] : memref<204800x128xf32, #tpu.memory_space<hbm>> -> memref<128x128xf32, #tpu.memory_space<hbm>>
      %dma_wait3A_863 = tpu.memref_slice %arg8[%dma_wait3A_855] : memref<5x!tpu.dma_semaphore, #tpu.memory_space<semaphore_mem>> -> memref<1x!tpu.dma_semaphore, #tpu.memory_space<semaphore_mem>>
      %dma_wait3A_864 = tpu.memref_squeeze %dma_wait3A_863 : memref<1x!tpu.dma_semaphore, #tpu.memory_space<semaphore_mem>> -> memref<!tpu.dma_semaphore, #tpu.memory_space<semaphore_mem>>
      %dma_wait3A_865 = arith.constant 0 : i32
      %dma_wait3A_866 = arith.constant 0 : i32
      %dma_wait3A_867 = tpu.memref_slice %arg4[%dma_wait3A_865, %dma_wait3A_866] : memref<204800x128xf32, #tpu.memory_space<hbm>> -> memref<128x128xf32, #tpu.memory_space<hbm>>
      %dma_wait3A_868 = arith.constant 0 : i32
      %dma_wait3A_869 = arith.constant 0 : i32
      %dma_wait3A_870 = tpu.memref_slice %arg6[%dma_wait3A_854, %dma_wait3A_868, %dma_wait3A_869] : memref<5x128x128xf32, #tpu.memory_space<vmem>> -> memref<1x128x128xf32, #tpu.memory_space<vmem>>
      %dma_wait3A_871 = tpu.memref_squeeze %dma_wait3A_870 : memref<1x128x128xf32, #tpu.memory_space<vmem>> -> memref<128x128xf32, #tpu.memory_space<vmem>>
      tpu.wait_dma2 semaphore(%dma_wait3A_864 : memref<!tpu.dma_semaphore, #tpu.memory_space<semaphore_mem>>) src(%dma_wait3A_871 : memref<128x128xf32, #tpu.memory_space<vmem>>) dst(%dma_wait3A_867 : memref<128x128xf32, #tpu.memory_space<hbm>>)
      %add3A_872 = arith.constant 2 : i32
      %add3A_873 = arith.addi %add3A_840, %add3A_872 : i32
      %mul3A_874 = arith.constant 128 : i32
      %mul3A_875 = arith.muli %add3A_873, %mul3A_874 : i32
      %dma_start3A_876 = arith.constant 0 : i32
      %dma_start3A_877 = arith.constant 0 : i32
      %dma_start3A_878 = arith.constant 0 : i32
      %dma_start3A_879 = arith.constant 0 : i32
      %dma_start3A_880 = tpu.memref_slice %arg6[%dma_start3A_876, %dma_start3A_878, %dma_start3A_879] : memref<5x128x128xf32, #tpu.memory_space<vmem>> -> memref<1x128x128xf32, #tpu.memory_space<vmem>>
      %dma_start3A_881 = tpu.memref_squeeze %dma_start3A_880 : memref<1x128x128xf32, #tpu.memory_space<vmem>> -> memref<128x128xf32, #tpu.memory_space<vmem>>
      %dma_start3A_882 = tpu.memref_slice %arg5[%mul3A_875] : memref<6400xi32, #tpu.memory_space<vmem>> -> memref<128xi32, #tpu.memory_space<vmem>>
      %dma_start3A_883 = arith.constant 0 : i32
      %dma_start3A_884 = arith.constant 0 : i32
      %dma_start3A_885 = tpu.memref_slice %arg3[%dma_start3A_883, %dma_start3A_884] : memref<100000x128xf32, #tpu.memory_space<hbm>> -> memref<100000x128xf32, #tpu.memory_space<hbm>>
      %dma_start3A_886 = tpu.memref_slice %arg7[%dma_start3A_877] : memref<5x!tpu.dma_semaphore, #tpu.memory_space<semaphore_mem>> -> memref<1x!tpu.dma_semaphore, #tpu.memory_space<semaphore_mem>>
      %dma_start3A_887 = tpu.memref_squeeze %dma_start3A_886 : memref<1x!tpu.dma_semaphore, #tpu.memory_space<semaphore_mem>> -> memref<!tpu.dma_semaphore, #tpu.memory_space<semaphore_mem>>
      tpu.enqueue_indirect_dma source(%dma_start3A_885 : memref<100000x128xf32, #tpu.memory_space<hbm>>) target(%dma_start3A_881 : memref<128x128xf32, #tpu.memory_space<vmem>>) offsets(%dma_start3A_882 : memref<128xi32, #tpu.memory_space<vmem>>) semaphore(%dma_start3A_887 : memref<!tpu.dma_semaphore, #tpu.memory_space<semaphore_mem>>)
      %mul3A_888 = arith.constant 128 : i32
      %mul3A_889 = arith.muli %add3A_840, %mul3A_888 : i32
      %add3A_890 = arith.addi %mul3A_2, %mul3A_889 : i32
      %dma_start3A_891 = arith.constant 3 : i32
      %dma_start3A_892 = arith.constant 3 : i32
      %dma_start3A_893 = arith.constant 0 : i32
      %dma_start3A_894 = arith.constant 0 : i32
      %dma_start3A_895 = tpu.memref_slice %arg6[%dma_start3A_891, %dma_start3A_893, %dma_start3A_894] : memref<5x128x128xf32, #tpu.memory_space<vmem>> -> memref<1x128x128xf32, #tpu.memory_space<vmem>>
      %dma_start3A_896 = tpu.memref_squeeze %dma_start3A_895 : memref<1x128x128xf32, #tpu.memory_space<vmem>> -> memref<128x128xf32, #tpu.memory_space<vmem>>
      %dma_start3A_897 = arith.constant 0 : i32
      %dma_start3A_898 = tpu.memref_slice %arg4[%add3A_890, %dma_start3A_897] : memref<204800x128xf32, #tpu.memory_space<hbm>> -> memref<128x128xf32, #tpu.memory_space<hbm>>
      %dma_start3A_899 = tpu.memref_slice %arg8[%dma_start3A_892] : memref<5x!tpu.dma_semaphore, #tpu.memory_space<semaphore_mem>> -> memref<1x!tpu.dma_semaphore, #tpu.memory_space<semaphore_mem>>
      %dma_start3A_900 = tpu.memref_squeeze %dma_start3A_899 : memref<1x!tpu.dma_semaphore, #tpu.memory_space<semaphore_mem>> -> memref<!tpu.dma_semaphore, #tpu.memory_space<semaphore_mem>>
      %dma_start3A_901 = arith.constant 0 : i32
      %dma_start3A_902 = tpu.memref_slice %arg4[%add3A_890, %dma_start3A_901] : memref<204800x128xf32, #tpu.memory_space<hbm>> -> memref<128x128xf32, #tpu.memory_space<hbm>>
      %dma_start3A_903 = arith.constant 0 : i32
      %dma_start3A_904 = arith.constant 0 : i32
      %dma_start3A_905 = tpu.memref_slice %arg6[%dma_start3A_891, %dma_start3A_903, %dma_start3A_904] : memref<5x128x128xf32, #tpu.memory_space<vmem>> -> memref<1x128x128xf32, #tpu.memory_space<vmem>>
      %dma_start3A_906 = tpu.memref_squeeze %dma_start3A_905 : memref<1x128x128xf32, #tpu.memory_space<vmem>> -> memref<128x128xf32, #tpu.memory_space<vmem>>
      tpu.enqueue_dma source(%dma_start3A_906 : memref<128x128xf32, #tpu.memory_space<vmem>>) target(%dma_start3A_902 : memref<128x128xf32, #tpu.memory_space<hbm>>) target_semaphore(%dma_start3A_900 : memref<!tpu.dma_semaphore, #tpu.memory_space<semaphore_mem>>)
      %mul3A_907 = arith.constant 5 : i32
      %mul3A_908 = arith.muli %scan3A_626, %mul3A_907 : i32
      %add3A_909 = arith.constant 4 : i32
      %add3A_910 = arith.addi %mul3A_908, %add3A_909 : i32
      %dma_wait3A_911 = arith.constant 4 : i32
      %dma_wait3A_912 = arith.constant 4 : i32
      %dma_wait3A_913 = arith.constant 0 : i32
      %dma_wait3A_914 = arith.constant 0 : i32
      %dma_wait3A_915 = tpu.memref_slice %arg6[%dma_wait3A_911, %dma_wait3A_913, %dma_wait3A_914] : memref<5x128x128xf32, #tpu.memory_space<vmem>> -> memref<1x128x128xf32, #tpu.memory_space<vmem>>
      %dma_wait3A_916 = tpu.memref_squeeze %dma_wait3A_915 : memref<1x128x128xf32, #tpu.memory_space<vmem>> -> memref<128x128xf32, #tpu.memory_space<vmem>>
      %dma_wait3A_917 = arith.constant 0 : i32
      %dma_wait3A_918 = tpu.memref_slice %arg5[%dma_wait3A_917] : memref<6400xi32, #tpu.memory_space<vmem>> -> memref<128xi32, #tpu.memory_space<vmem>>
      %dma_wait3A_919 = arith.constant 0 : i32
      %dma_wait3A_920 = arith.constant 0 : i32
      %dma_wait3A_921 = tpu.memref_slice %arg3[%dma_wait3A_919, %dma_wait3A_920] : memref<100000x128xf32, #tpu.memory_space<hbm>> -> memref<100000x128xf32, #tpu.memory_space<hbm>>
      %dma_wait3A_922 = tpu.memref_slice %arg7[%dma_wait3A_912] : memref<5x!tpu.dma_semaphore, #tpu.memory_space<semaphore_mem>> -> memref<1x!tpu.dma_semaphore, #tpu.memory_space<semaphore_mem>>
      %dma_wait3A_923 = tpu.memref_squeeze %dma_wait3A_922 : memref<1x!tpu.dma_semaphore, #tpu.memory_space<semaphore_mem>> -> memref<!tpu.dma_semaphore, #tpu.memory_space<semaphore_mem>>
      tpu.wait_indirect_dma semaphore(%dma_wait3A_923 : memref<!tpu.dma_semaphore, #tpu.memory_space<semaphore_mem>>) src(%dma_wait3A_921 : memref<100000x128xf32, #tpu.memory_space<hbm>>) dst(%dma_wait3A_916 : memref<128x128xf32, #tpu.memory_space<vmem>>)
      %dma_wait3A_924 = arith.constant 1 : i32
      %dma_wait3A_925 = arith.constant 1 : i32
      %dma_wait3A_926 = arith.constant 0 : i32
      %dma_wait3A_927 = arith.constant 0 : i32
      %dma_wait3A_928 = tpu.memref_slice %arg6[%dma_wait3A_924, %dma_wait3A_926, %dma_wait3A_927] : memref<5x128x128xf32, #tpu.memory_space<vmem>> -> memref<1x128x128xf32, #tpu.memory_space<vmem>>
      %dma_wait3A_929 = tpu.memref_squeeze %dma_wait3A_928 : memref<1x128x128xf32, #tpu.memory_space<vmem>> -> memref<128x128xf32, #tpu.memory_space<vmem>>
      %dma_wait3A_930 = arith.constant 0 : i32
      %dma_wait3A_931 = arith.constant 0 : i32
      %dma_wait3A_932 = tpu.memref_slice %arg4[%dma_wait3A_930, %dma_wait3A_931] : memref<204800x128xf32, #tpu.memory_space<hbm>> -> memref<128x128xf32, #tpu.memory_space<hbm>>
      %dma_wait3A_933 = tpu.memref_slice %arg8[%dma_wait3A_925] : memref<5x!tpu.dma_semaphore, #tpu.memory_space<semaphore_mem>> -> memref<1x!tpu.dma_semaphore, #tpu.memory_space<semaphore_mem>>
      %dma_wait3A_934 = tpu.memref_squeeze %dma_wait3A_933 : memref<1x!tpu.dma_semaphore, #tpu.memory_space<semaphore_mem>> -> memref<!tpu.dma_semaphore, #tpu.memory_space<semaphore_mem>>
      %dma_wait3A_935 = arith.constant 0 : i32
      %dma_wait3A_936 = arith.constant 0 : i32
      %dma_wait3A_937 = tpu.memref_slice %arg4[%dma_wait3A_935, %dma_wait3A_936] : memref<204800x128xf32, #tpu.memory_space<hbm>> -> memref<128x128xf32, #tpu.memory_space<hbm>>
      %dma_wait3A_938 = arith.constant 0 : i32
      %dma_wait3A_939 = arith.constant 0 : i32
      %dma_wait3A_940 = tpu.memref_slice %arg6[%dma_wait3A_924, %dma_wait3A_938, %dma_wait3A_939] : memref<5x128x128xf32, #tpu.memory_space<vmem>> -> memref<1x128x128xf32, #tpu.memory_space<vmem>>
      %dma_wait3A_941 = tpu.memref_squeeze %dma_wait3A_940 : memref<1x128x128xf32, #tpu.memory_space<vmem>> -> memref<128x128xf32, #tpu.memory_space<vmem>>
      tpu.wait_dma2 semaphore(%dma_wait3A_934 : memref<!tpu.dma_semaphore, #tpu.memory_space<semaphore_mem>>) src(%dma_wait3A_941 : memref<128x128xf32, #tpu.memory_space<vmem>>) dst(%dma_wait3A_937 : memref<128x128xf32, #tpu.memory_space<hbm>>)
      %add3A_942 = arith.constant 2 : i32
      %add3A_943 = arith.addi %add3A_910, %add3A_942 : i32
      %mul3A_944 = arith.constant 128 : i32
      %mul3A_945 = arith.muli %add3A_943, %mul3A_944 : i32
      %dma_start3A_946 = arith.constant 1 : i32
      %dma_start3A_947 = arith.constant 1 : i32
      %dma_start3A_948 = arith.constant 0 : i32
      %dma_start3A_949 = arith.constant 0 : i32
      %dma_start3A_950 = tpu.memref_slice %arg6[%dma_start3A_946, %dma_start3A_948, %dma_start3A_949] : memref<5x128x128xf32, #tpu.memory_space<vmem>> -> memref<1x128x128xf32, #tpu.memory_space<vmem>>
      %dma_start3A_951 = tpu.memref_squeeze %dma_start3A_950 : memref<1x128x128xf32, #tpu.memory_space<vmem>> -> memref<128x128xf32, #tpu.memory_space<vmem>>
      %dma_start3A_952 = tpu.memref_slice %arg5[%mul3A_945] : memref<6400xi32, #tpu.memory_space<vmem>> -> memref<128xi32, #tpu.memory_space<vmem>>
      %dma_start3A_953 = arith.constant 0 : i32
      %dma_start3A_954 = arith.constant 0 : i32
      %dma_start3A_955 = tpu.memref_slice %arg3[%dma_start3A_953, %dma_start3A_954] : memref<100000x128xf32, #tpu.memory_space<hbm>> -> memref<100000x128xf32, #tpu.memory_space<hbm>>
      %dma_start3A_956 = tpu.memref_slice %arg7[%dma_start3A_947] : memref<5x!tpu.dma_semaphore, #tpu.memory_space<semaphore_mem>> -> memref<1x!tpu.dma_semaphore, #tpu.memory_space<semaphore_mem>>
      %dma_start3A_957 = tpu.memref_squeeze %dma_start3A_956 : memref<1x!tpu.dma_semaphore, #tpu.memory_space<semaphore_mem>> -> memref<!tpu.dma_semaphore, #tpu.memory_space<semaphore_mem>>
      tpu.enqueue_indirect_dma source(%dma_start3A_955 : memref<100000x128xf32, #tpu.memory_space<hbm>>) target(%dma_start3A_951 : memref<128x128xf32, #tpu.memory_space<vmem>>) offsets(%dma_start3A_952 : memref<128xi32, #tpu.memory_space<vmem>>) semaphore(%dma_start3A_957 : memref<!tpu.dma_semaphore, #tpu.memory_space<semaphore_mem>>)
      %mul3A_958 = arith.constant 128 : i32
      %mul3A_959 = arith.muli %add3A_910, %mul3A_958 : i32
      %add3A_960 = arith.addi %mul3A_2, %mul3A_959 : i32
      %dma_start3A_961 = arith.constant 4 : i32
      %dma_start3A_962 = arith.constant 4 : i32
      %dma_start3A_963 = arith.constant 0 : i32
      %dma_start3A_964 = arith.constant 0 : i32
      %dma_start3A_965 = tpu.memref_slice %arg6[%dma_start3A_961, %dma_start3A_963, %dma_start3A_964] : memref<5x128x128xf32, #tpu.memory_space<vmem>> -> memref<1x128x128xf32, #tpu.memory_space<vmem>>
      %dma_start3A_966 = tpu.memref_squeeze %dma_start3A_965 : memref<1x128x128xf32, #tpu.memory_space<vmem>> -> memref<128x128xf32, #tpu.memory_space<vmem>>
      %dma_start3A_967 = arith.constant 0 : i32
      %dma_start3A_968 = tpu.memref_slice %arg4[%add3A_960, %dma_start3A_967] : memref<204800x128xf32, #tpu.memory_space<hbm>> -> memref<128x128xf32, #tpu.memory_space<hbm>>
      %dma_start3A_969 = tpu.memref_slice %arg8[%dma_start3A_962] : memref<5x!tpu.dma_semaphore, #tpu.memory_space<semaphore_mem>> -> memref<1x!tpu.dma_semaphore, #tpu.memory_space<semaphore_mem>>
      %dma_start3A_970 = tpu.memref_squeeze %dma_start3A_969 : memref<1x!tpu.dma_semaphore, #tpu.memory_space<semaphore_mem>> -> memref<!tpu.dma_semaphore, #tpu.memory_space<semaphore_mem>>
      %dma_start3A_971 = arith.constant 0 : i32
      %dma_start3A_972 = tpu.memref_slice %arg4[%add3A_960, %dma_start3A_971] : memref<204800x128xf32, #tpu.memory_space<hbm>> -> memref<128x128xf32, #tpu.memory_space<hbm>>
      %dma_start3A_973 = arith.constant 0 : i32
      %dma_start3A_974 = arith.constant 0 : i32
      %dma_start3A_975 = tpu.memref_slice %arg6[%dma_start3A_961, %dma_start3A_973, %dma_start3A_974] : memref<5x128x128xf32, #tpu.memory_space<vmem>> -> memref<1x128x128xf32, #tpu.memory_space<vmem>>
      %dma_start3A_976 = tpu.memref_squeeze %dma_start3A_975 : memref<1x128x128xf32, #tpu.memory_space<vmem>> -> memref<128x128xf32, #tpu.memory_space<vmem>>
      tpu.enqueue_dma source(%dma_start3A_976 : memref<128x128xf32, #tpu.memory_space<vmem>>) target(%dma_start3A_972 : memref<128x128xf32, #tpu.memory_space<hbm>>) target_semaphore(%dma_start3A_970 : memref<!tpu.dma_semaphore, #tpu.memory_space<semaphore_mem>>)
    }
    %scan3A_287 = arith.constant 8 : i32
    %dma_wait3A_288 = arith.constant 0 : i32
    %dma_wait3A_289 = arith.constant 0 : i32
    %dma_wait3A_290 = arith.constant 0 : i32
    %dma_wait3A_291 = arith.constant 0 : i32
    %dma_wait3A_292 = tpu.memref_slice %arg6[%dma_wait3A_288, %dma_wait3A_290, %dma_wait3A_291] : memref<5x128x128xf32, #tpu.memory_space<vmem>> -> memref<1x128x128xf32, #tpu.memory_space<vmem>>
    %dma_wait3A_293 = tpu.memref_squeeze %dma_wait3A_292 : memref<1x128x128xf32, #tpu.memory_space<vmem>> -> memref<128x128xf32, #tpu.memory_space<vmem>>
    %dma_wait3A_294 = arith.constant 0 : i32
    %dma_wait3A_295 = tpu.memref_slice %arg5[%dma_wait3A_294] : memref<6400xi32, #tpu.memory_space<vmem>> -> memref<128xi32, #tpu.memory_space<vmem>>
    %dma_wait3A_296 = arith.constant 0 : i32
    %dma_wait3A_297 = arith.constant 0 : i32
    %dma_wait3A_298 = tpu.memref_slice %arg3[%dma_wait3A_296, %dma_wait3A_297] : memref<100000x128xf32, #tpu.memory_space<hbm>> -> memref<100000x128xf32, #tpu.memory_space<hbm>>
    %dma_wait3A_299 = tpu.memref_slice %arg7[%dma_wait3A_289] : memref<5x!tpu.dma_semaphore, #tpu.memory_space<semaphore_mem>> -> memref<1x!tpu.dma_semaphore, #tpu.memory_space<semaphore_mem>>
    %dma_wait3A_300 = tpu.memref_squeeze %dma_wait3A_299 : memref<1x!tpu.dma_semaphore, #tpu.memory_space<semaphore_mem>> -> memref<!tpu.dma_semaphore, #tpu.memory_space<semaphore_mem>>
    tpu.wait_indirect_dma semaphore(%dma_wait3A_300 : memref<!tpu.dma_semaphore, #tpu.memory_space<semaphore_mem>>) src(%dma_wait3A_298 : memref<100000x128xf32, #tpu.memory_space<hbm>>) dst(%dma_wait3A_293 : memref<128x128xf32, #tpu.memory_space<vmem>>)
    %dma_wait3A_301 = arith.constant 2 : i32
    %dma_wait3A_302 = arith.constant 2 : i32
    %dma_wait3A_303 = arith.constant 0 : i32
    %dma_wait3A_304 = arith.constant 0 : i32
    %dma_wait3A_305 = tpu.memref_slice %arg6[%dma_wait3A_301, %dma_wait3A_303, %dma_wait3A_304] : memref<5x128x128xf32, #tpu.memory_space<vmem>> -> memref<1x128x128xf32, #tpu.memory_space<vmem>>
    %dma_wait3A_306 = tpu.memref_squeeze %dma_wait3A_305 : memref<1x128x128xf32, #tpu.memory_space<vmem>> -> memref<128x128xf32, #tpu.memory_space<vmem>>
    %dma_wait3A_307 = arith.constant 0 : i32
    %dma_wait3A_308 = arith.constant 0 : i32
    %dma_wait3A_309 = tpu.memref_slice %arg4[%dma_wait3A_307, %dma_wait3A_308] : memref<204800x128xf32, #tpu.memory_space<hbm>> -> memref<128x128xf32, #tpu.memory_space<hbm>>
    %dma_wait3A_310 = tpu.memref_slice %arg8[%dma_wait3A_302] : memref<5x!tpu.dma_semaphore, #tpu.memory_space<semaphore_mem>> -> memref<1x!tpu.dma_semaphore, #tpu.memory_space<semaphore_mem>>
    %dma_wait3A_311 = tpu.memref_squeeze %dma_wait3A_310 : memref<1x!tpu.dma_semaphore, #tpu.memory_space<semaphore_mem>> -> memref<!tpu.dma_semaphore, #tpu.memory_space<semaphore_mem>>
    %dma_wait3A_312 = arith.constant 0 : i32
    %dma_wait3A_313 = arith.constant 0 : i32
    %dma_wait3A_314 = tpu.memref_slice %arg4[%dma_wait3A_312, %dma_wait3A_313] : memref<204800x128xf32, #tpu.memory_space<hbm>> -> memref<128x128xf32, #tpu.memory_space<hbm>>
    %dma_wait3A_315 = arith.constant 0 : i32
    %dma_wait3A_316 = arith.constant 0 : i32
    %dma_wait3A_317 = tpu.memref_slice %arg6[%dma_wait3A_301, %dma_wait3A_315, %dma_wait3A_316] : memref<5x128x128xf32, #tpu.memory_space<vmem>> -> memref<1x128x128xf32, #tpu.memory_space<vmem>>
    %dma_wait3A_318 = tpu.memref_squeeze %dma_wait3A_317 : memref<1x128x128xf32, #tpu.memory_space<vmem>> -> memref<128x128xf32, #tpu.memory_space<vmem>>
    tpu.wait_dma2 semaphore(%dma_wait3A_311 : memref<!tpu.dma_semaphore, #tpu.memory_space<semaphore_mem>>) src(%dma_wait3A_318 : memref<128x128xf32, #tpu.memory_space<vmem>>) dst(%dma_wait3A_314 : memref<128x128xf32, #tpu.memory_space<hbm>>)
    %dma_start3A_319 = arith.constant 2 : i32
    %dma_start3A_320 = arith.constant 2 : i32
    %dma_start3A_321 = arith.constant 0 : i32
    %dma_start3A_322 = arith.constant 0 : i32
    %dma_start3A_323 = tpu.memref_slice %arg6[%dma_start3A_319, %dma_start3A_321, %dma_start3A_322] : memref<5x128x128xf32, #tpu.memory_space<vmem>> -> memref<1x128x128xf32, #tpu.memory_space<vmem>>
    %dma_start3A_324 = tpu.memref_squeeze %dma_start3A_323 : memref<1x128x128xf32, #tpu.memory_space<vmem>> -> memref<128x128xf32, #tpu.memory_space<vmem>>
    %dma_start3A_325 = arith.constant 6016 : i32
    %dma_start3A_326 = tpu.memref_slice %arg5[%dma_start3A_325] : memref<6400xi32, #tpu.memory_space<vmem>> -> memref<128xi32, #tpu.memory_space<vmem>>
    %dma_start3A_327 = arith.constant 0 : i32
    %dma_start3A_328 = arith.constant 0 : i32
    %dma_start3A_329 = tpu.memref_slice %arg3[%dma_start3A_327, %dma_start3A_328] : memref<100000x128xf32, #tpu.memory_space<hbm>> -> memref<100000x128xf32, #tpu.memory_space<hbm>>
    %dma_start3A_330 = tpu.memref_slice %arg7[%dma_start3A_320] : memref<5x!tpu.dma_semaphore, #tpu.memory_space<semaphore_mem>> -> memref<1x!tpu.dma_semaphore, #tpu.memory_space<semaphore_mem>>
    %dma_start3A_331 = tpu.memref_squeeze %dma_start3A_330 : memref<1x!tpu.dma_semaphore, #tpu.memory_space<semaphore_mem>> -> memref<!tpu.dma_semaphore, #tpu.memory_space<semaphore_mem>>
    tpu.enqueue_indirect_dma source(%dma_start3A_329 : memref<100000x128xf32, #tpu.memory_space<hbm>>) target(%dma_start3A_324 : memref<128x128xf32, #tpu.memory_space<vmem>>) offsets(%dma_start3A_326 : memref<128xi32, #tpu.memory_space<vmem>>) semaphore(%dma_start3A_331 : memref<!tpu.dma_semaphore, #tpu.memory_space<semaphore_mem>>)
    %add3A_332 = arith.constant 5760 : i32
    %add3A_333 = arith.addi %mul3A_2, %add3A_332 : i32
    %dma_start3A_334 = arith.constant 0 : i32
    %dma_start3A_335 = arith.constant 0 : i32
    %dma_start3A_336 = arith.constant 0 : i32
    %dma_start3A_337 = arith.constant 0 : i32
    %dma_start3A_338 = tpu.memref_slice %arg6[%dma_start3A_334, %dma_start3A_336, %dma_start3A_337] : memref<5x128x128xf32, #tpu.memory_space<vmem>> -> memref<1x128x128xf32, #tpu.memory_space<vmem>>
    %dma_start3A_339 = tpu.memref_squeeze %dma_start3A_338 : memref<1x128x128xf32, #tpu.memory_space<vmem>> -> memref<128x128xf32, #tpu.memory_space<vmem>>
    %dma_start3A_340 = arith.constant 0 : i32
    %dma_start3A_341 = tpu.memref_slice %arg4[%add3A_333, %dma_start3A_340] : memref<204800x128xf32, #tpu.memory_space<hbm>> -> memref<128x128xf32, #tpu.memory_space<hbm>>
    %dma_start3A_342 = tpu.memref_slice %arg8[%dma_start3A_335] : memref<5x!tpu.dma_semaphore, #tpu.memory_space<semaphore_mem>> -> memref<1x!tpu.dma_semaphore, #tpu.memory_space<semaphore_mem>>
    %dma_start3A_343 = tpu.memref_squeeze %dma_start3A_342 : memref<1x!tpu.dma_semaphore, #tpu.memory_space<semaphore_mem>> -> memref<!tpu.dma_semaphore, #tpu.memory_space<semaphore_mem>>
    %dma_start3A_344 = arith.constant 0 : i32
    %dma_start3A_345 = tpu.memref_slice %arg4[%add3A_333, %dma_start3A_344] : memref<204800x128xf32, #tpu.memory_space<hbm>> -> memref<128x128xf32, #tpu.memory_space<hbm>>
    %dma_start3A_346 = arith.constant 0 : i32
    %dma_start3A_347 = arith.constant 0 : i32
    %dma_start3A_348 = tpu.memref_slice %arg6[%dma_start3A_334, %dma_start3A_346, %dma_start3A_347] : memref<5x128x128xf32, #tpu.memory_space<vmem>> -> memref<1x128x128xf32, #tpu.memory_space<vmem>>
    %dma_start3A_349 = tpu.memref_squeeze %dma_start3A_348 : memref<1x128x128xf32, #tpu.memory_space<vmem>> -> memref<128x128xf32, #tpu.memory_space<vmem>>
    tpu.enqueue_dma source(%dma_start3A_349 : memref<128x128xf32, #tpu.memory_space<vmem>>) target(%dma_start3A_345 : memref<128x128xf32, #tpu.memory_space<hbm>>) target_semaphore(%dma_start3A_343 : memref<!tpu.dma_semaphore, #tpu.memory_space<semaphore_mem>>)
    %dma_wait3A_350 = arith.constant 1 : i32
    %dma_wait3A_351 = arith.constant 1 : i32
    %dma_wait3A_352 = arith.constant 0 : i32
    %dma_wait3A_353 = arith.constant 0 : i32
    %dma_wait3A_354 = tpu.memref_slice %arg6[%dma_wait3A_350, %dma_wait3A_352, %dma_wait3A_353] : memref<5x128x128xf32, #tpu.memory_space<vmem>> -> memref<1x128x128xf32, #tpu.memory_space<vmem>>
    %dma_wait3A_355 = tpu.memref_squeeze %dma_wait3A_354 : memref<1x128x128xf32, #tpu.memory_space<vmem>> -> memref<128x128xf32, #tpu.memory_space<vmem>>
    %dma_wait3A_356 = arith.constant 0 : i32
    %dma_wait3A_357 = tpu.memref_slice %arg5[%dma_wait3A_356] : memref<6400xi32, #tpu.memory_space<vmem>> -> memref<128xi32, #tpu.memory_space<vmem>>
    %dma_wait3A_358 = arith.constant 0 : i32
    %dma_wait3A_359 = arith.constant 0 : i32
    %dma_wait3A_360 = tpu.memref_slice %arg3[%dma_wait3A_358, %dma_wait3A_359] : memref<100000x128xf32, #tpu.memory_space<hbm>> -> memref<100000x128xf32, #tpu.memory_space<hbm>>
    %dma_wait3A_361 = tpu.memref_slice %arg7[%dma_wait3A_351] : memref<5x!tpu.dma_semaphore, #tpu.memory_space<semaphore_mem>> -> memref<1x!tpu.dma_semaphore, #tpu.memory_space<semaphore_mem>>
    %dma_wait3A_362 = tpu.memref_squeeze %dma_wait3A_361 : memref<1x!tpu.dma_semaphore, #tpu.memory_space<semaphore_mem>> -> memref<!tpu.dma_semaphore, #tpu.memory_space<semaphore_mem>>
    tpu.wait_indirect_dma semaphore(%dma_wait3A_362 : memref<!tpu.dma_semaphore, #tpu.memory_space<semaphore_mem>>) src(%dma_wait3A_360 : memref<100000x128xf32, #tpu.memory_space<hbm>>) dst(%dma_wait3A_355 : memref<128x128xf32, #tpu.memory_space<vmem>>)
    %dma_wait3A_363 = arith.constant 3 : i32
    %dma_wait3A_364 = arith.constant 3 : i32
    %dma_wait3A_365 = arith.constant 0 : i32
    %dma_wait3A_366 = arith.constant 0 : i32
    %dma_wait3A_367 = tpu.memref_slice %arg6[%dma_wait3A_363, %dma_wait3A_365, %dma_wait3A_366] : memref<5x128x128xf32, #tpu.memory_space<vmem>> -> memref<1x128x128xf32, #tpu.memory_space<vmem>>
    %dma_wait3A_368 = tpu.memref_squeeze %dma_wait3A_367 : memref<1x128x128xf32, #tpu.memory_space<vmem>> -> memref<128x128xf32, #tpu.memory_space<vmem>>
    %dma_wait3A_369 = arith.constant 0 : i32
    %dma_wait3A_370 = arith.constant 0 : i32
    %dma_wait3A_371 = tpu.memref_slice %arg4[%dma_wait3A_369, %dma_wait3A_370] : memref<204800x128xf32, #tpu.memory_space<hbm>> -> memref<128x128xf32, #tpu.memory_space<hbm>>
    %dma_wait3A_372 = tpu.memref_slice %arg8[%dma_wait3A_364] : memref<5x!tpu.dma_semaphore, #tpu.memory_space<semaphore_mem>> -> memref<1x!tpu.dma_semaphore, #tpu.memory_space<semaphore_mem>>
    %dma_wait3A_373 = tpu.memref_squeeze %dma_wait3A_372 : memref<1x!tpu.dma_semaphore, #tpu.memory_space<semaphore_mem>> -> memref<!tpu.dma_semaphore, #tpu.memory_space<semaphore_mem>>
    %dma_wait3A_374 = arith.constant 0 : i32
    %dma_wait3A_375 = arith.constant 0 : i32
    %dma_wait3A_376 = tpu.memref_slice %arg4[%dma_wait3A_374, %dma_wait3A_375] : memref<204800x128xf32, #tpu.memory_space<hbm>> -> memref<128x128xf32, #tpu.memory_space<hbm>>
    %dma_wait3A_377 = arith.constant 0 : i32
    %dma_wait3A_378 = arith.constant 0 : i32
    %dma_wait3A_379 = tpu.memref_slice %arg6[%dma_wait3A_363, %dma_wait3A_377, %dma_wait3A_378] : memref<5x128x128xf32, #tpu.memory_space<vmem>> -> memref<1x128x128xf32, #tpu.memory_space<vmem>>
    %dma_wait3A_380 = tpu.memref_squeeze %dma_wait3A_379 : memref<1x128x128xf32, #tpu.memory_space<vmem>> -> memref<128x128xf32, #tpu.memory_space<vmem>>
    tpu.wait_dma2 semaphore(%dma_wait3A_373 : memref<!tpu.dma_semaphore, #tpu.memory_space<semaphore_mem>>) src(%dma_wait3A_380 : memref<128x128xf32, #tpu.memory_space<vmem>>) dst(%dma_wait3A_376 : memref<128x128xf32, #tpu.memory_space<hbm>>)
    %dma_start3A_381 = arith.constant 3 : i32
    %dma_start3A_382 = arith.constant 3 : i32
    %dma_start3A_383 = arith.constant 0 : i32
    %dma_start3A_384 = arith.constant 0 : i32
    %dma_start3A_385 = tpu.memref_slice %arg6[%dma_start3A_381, %dma_start3A_383, %dma_start3A_384] : memref<5x128x128xf32, #tpu.memory_space<vmem>> -> memref<1x128x128xf32, #tpu.memory_space<vmem>>
    %dma_start3A_386 = tpu.memref_squeeze %dma_start3A_385 : memref<1x128x128xf32, #tpu.memory_space<vmem>> -> memref<128x128xf32, #tpu.memory_space<vmem>>
    %dma_start3A_387 = arith.constant 6144 : i32
    %dma_start3A_388 = tpu.memref_slice %arg5[%dma_start3A_387] : memref<6400xi32, #tpu.memory_space<vmem>> -> memref<128xi32, #tpu.memory_space<vmem>>
    %dma_start3A_389 = arith.constant 0 : i32
    %dma_start3A_390 = arith.constant 0 : i32
    %dma_start3A_391 = tpu.memref_slice %arg3[%dma_start3A_389, %dma_start3A_390] : memref<100000x128xf32, #tpu.memory_space<hbm>> -> memref<100000x128xf32, #tpu.memory_space<hbm>>
    %dma_start3A_392 = tpu.memref_slice %arg7[%dma_start3A_382] : memref<5x!tpu.dma_semaphore, #tpu.memory_space<semaphore_mem>> -> memref<1x!tpu.dma_semaphore, #tpu.memory_space<semaphore_mem>>
    %dma_start3A_393 = tpu.memref_squeeze %dma_start3A_392 : memref<1x!tpu.dma_semaphore, #tpu.memory_space<semaphore_mem>> -> memref<!tpu.dma_semaphore, #tpu.memory_space<semaphore_mem>>
    tpu.enqueue_indirect_dma source(%dma_start3A_391 : memref<100000x128xf32, #tpu.memory_space<hbm>>) target(%dma_start3A_386 : memref<128x128xf32, #tpu.memory_space<vmem>>) offsets(%dma_start3A_388 : memref<128xi32, #tpu.memory_space<vmem>>) semaphore(%dma_start3A_393 : memref<!tpu.dma_semaphore, #tpu.memory_space<semaphore_mem>>)
    %add3A_394 = arith.constant 5888 : i32
    %add3A_395 = arith.addi %mul3A_2, %add3A_394 : i32
    %dma_start3A_396 = arith.constant 1 : i32
    %dma_start3A_397 = arith.constant 1 : i32
    %dma_start3A_398 = arith.constant 0 : i32
    %dma_start3A_399 = arith.constant 0 : i32
    %dma_start3A_400 = tpu.memref_slice %arg6[%dma_start3A_396, %dma_start3A_398, %dma_start3A_399] : memref<5x128x128xf32, #tpu.memory_space<vmem>> -> memref<1x128x128xf32, #tpu.memory_space<vmem>>
    %dma_start3A_401 = tpu.memref_squeeze %dma_start3A_400 : memref<1x128x128xf32, #tpu.memory_space<vmem>> -> memref<128x128xf32, #tpu.memory_space<vmem>>
    %dma_start3A_402 = arith.constant 0 : i32
    %dma_start3A_403 = tpu.memref_slice %arg4[%add3A_395, %dma_start3A_402] : memref<204800x128xf32, #tpu.memory_space<hbm>> -> memref<128x128xf32, #tpu.memory_space<hbm>>
    %dma_start3A_404 = tpu.memref_slice %arg8[%dma_start3A_397] : memref<5x!tpu.dma_semaphore, #tpu.memory_space<semaphore_mem>> -> memref<1x!tpu.dma_semaphore, #tpu.memory_space<semaphore_mem>>
    %dma_start3A_405 = tpu.memref_squeeze %dma_start3A_404 : memref<1x!tpu.dma_semaphore, #tpu.memory_space<semaphore_mem>> -> memref<!tpu.dma_semaphore, #tpu.memory_space<semaphore_mem>>
    %dma_start3A_406 = arith.constant 0 : i32
    %dma_start3A_407 = tpu.memref_slice %arg4[%add3A_395, %dma_start3A_406] : memref<204800x128xf32, #tpu.memory_space<hbm>> -> memref<128x128xf32, #tpu.memory_space<hbm>>
    %dma_start3A_408 = arith.constant 0 : i32
    %dma_start3A_409 = arith.constant 0 : i32
    %dma_start3A_410 = tpu.memref_slice %arg6[%dma_start3A_396, %dma_start3A_408, %dma_start3A_409] : memref<5x128x128xf32, #tpu.memory_space<vmem>> -> memref<1x128x128xf32, #tpu.memory_space<vmem>>
    %dma_start3A_411 = tpu.memref_squeeze %dma_start3A_410 : memref<1x128x128xf32, #tpu.memory_space<vmem>> -> memref<128x128xf32, #tpu.memory_space<vmem>>
    tpu.enqueue_dma source(%dma_start3A_411 : memref<128x128xf32, #tpu.memory_space<vmem>>) target(%dma_start3A_407 : memref<128x128xf32, #tpu.memory_space<hbm>>) target_semaphore(%dma_start3A_405 : memref<!tpu.dma_semaphore, #tpu.memory_space<semaphore_mem>>)
    %dma_wait3A_412 = arith.constant 2 : i32
    %dma_wait3A_413 = arith.constant 2 : i32
    %dma_wait3A_414 = arith.constant 0 : i32
    %dma_wait3A_415 = arith.constant 0 : i32
    %dma_wait3A_416 = tpu.memref_slice %arg6[%dma_wait3A_412, %dma_wait3A_414, %dma_wait3A_415] : memref<5x128x128xf32, #tpu.memory_space<vmem>> -> memref<1x128x128xf32, #tpu.memory_space<vmem>>
    %dma_wait3A_417 = tpu.memref_squeeze %dma_wait3A_416 : memref<1x128x128xf32, #tpu.memory_space<vmem>> -> memref<128x128xf32, #tpu.memory_space<vmem>>
    %dma_wait3A_418 = arith.constant 0 : i32
    %dma_wait3A_419 = tpu.memref_slice %arg5[%dma_wait3A_418] : memref<6400xi32, #tpu.memory_space<vmem>> -> memref<128xi32, #tpu.memory_space<vmem>>
    %dma_wait3A_420 = arith.constant 0 : i32
    %dma_wait3A_421 = arith.constant 0 : i32
    %dma_wait3A_422 = tpu.memref_slice %arg3[%dma_wait3A_420, %dma_wait3A_421] : memref<100000x128xf32, #tpu.memory_space<hbm>> -> memref<100000x128xf32, #tpu.memory_space<hbm>>
    %dma_wait3A_423 = tpu.memref_slice %arg7[%dma_wait3A_413] : memref<5x!tpu.dma_semaphore, #tpu.memory_space<semaphore_mem>> -> memref<1x!tpu.dma_semaphore, #tpu.memory_space<semaphore_mem>>
    %dma_wait3A_424 = tpu.memref_squeeze %dma_wait3A_423 : memref<1x!tpu.dma_semaphore, #tpu.memory_space<semaphore_mem>> -> memref<!tpu.dma_semaphore, #tpu.memory_space<semaphore_mem>>
    tpu.wait_indirect_dma semaphore(%dma_wait3A_424 : memref<!tpu.dma_semaphore, #tpu.memory_space<semaphore_mem>>) src(%dma_wait3A_422 : memref<100000x128xf32, #tpu.memory_space<hbm>>) dst(%dma_wait3A_417 : memref<128x128xf32, #tpu.memory_space<vmem>>)
    %dma_wait3A_425 = arith.constant 4 : i32
    %dma_wait3A_426 = arith.constant 4 : i32
    %dma_wait3A_427 = arith.constant 0 : i32
    %dma_wait3A_428 = arith.constant 0 : i32
    %dma_wait3A_429 = tpu.memref_slice %arg6[%dma_wait3A_425, %dma_wait3A_427, %dma_wait3A_428] : memref<5x128x128xf32, #tpu.memory_space<vmem>> -> memref<1x128x128xf32, #tpu.memory_space<vmem>>
    %dma_wait3A_430 = tpu.memref_squeeze %dma_wait3A_429 : memref<1x128x128xf32, #tpu.memory_space<vmem>> -> memref<128x128xf32, #tpu.memory_space<vmem>>
    %dma_wait3A_431 = arith.constant 0 : i32
    %dma_wait3A_432 = arith.constant 0 : i32
    %dma_wait3A_433 = tpu.memref_slice %arg4[%dma_wait3A_431, %dma_wait3A_432] : memref<204800x128xf32, #tpu.memory_space<hbm>> -> memref<128x128xf32, #tpu.memory_space<hbm>>
    %dma_wait3A_434 = tpu.memref_slice %arg8[%dma_wait3A_426] : memref<5x!tpu.dma_semaphore, #tpu.memory_space<semaphore_mem>> -> memref<1x!tpu.dma_semaphore, #tpu.memory_space<semaphore_mem>>
    %dma_wait3A_435 = tpu.memref_squeeze %dma_wait3A_434 : memref<1x!tpu.dma_semaphore, #tpu.memory_space<semaphore_mem>> -> memref<!tpu.dma_semaphore, #tpu.memory_space<semaphore_mem>>
    %dma_wait3A_436 = arith.constant 0 : i32
    %dma_wait3A_437 = arith.constant 0 : i32
    %dma_wait3A_438 = tpu.memref_slice %arg4[%dma_wait3A_436, %dma_wait3A_437] : memref<204800x128xf32, #tpu.memory_space<hbm>> -> memref<128x128xf32, #tpu.memory_space<hbm>>
    %dma_wait3A_439 = arith.constant 0 : i32
    %dma_wait3A_440 = arith.constant 0 : i32
    %dma_wait3A_441 = tpu.memref_slice %arg6[%dma_wait3A_425, %dma_wait3A_439, %dma_wait3A_440] : memref<5x128x128xf32, #tpu.memory_space<vmem>> -> memref<1x128x128xf32, #tpu.memory_space<vmem>>
    %dma_wait3A_442 = tpu.memref_squeeze %dma_wait3A_441 : memref<1x128x128xf32, #tpu.memory_space<vmem>> -> memref<128x128xf32, #tpu.memory_space<vmem>>
    tpu.wait_dma2 semaphore(%dma_wait3A_435 : memref<!tpu.dma_semaphore, #tpu.memory_space<semaphore_mem>>) src(%dma_wait3A_442 : memref<128x128xf32, #tpu.memory_space<vmem>>) dst(%dma_wait3A_438 : memref<128x128xf32, #tpu.memory_space<hbm>>)
    %dma_start3A_443 = arith.constant 4 : i32
    %dma_start3A_444 = arith.constant 4 : i32
    %dma_start3A_445 = arith.constant 0 : i32
    %dma_start3A_446 = arith.constant 0 : i32
    %dma_start3A_447 = tpu.memref_slice %arg6[%dma_start3A_443, %dma_start3A_445, %dma_start3A_446] : memref<5x128x128xf32, #tpu.memory_space<vmem>> -> memref<1x128x128xf32, #tpu.memory_space<vmem>>
    %dma_start3A_448 = tpu.memref_squeeze %dma_start3A_447 : memref<1x128x128xf32, #tpu.memory_space<vmem>> -> memref<128x128xf32, #tpu.memory_space<vmem>>
    %dma_start3A_449 = arith.constant 6272 : i32
    %dma_start3A_450 = tpu.memref_slice %arg5[%dma_start3A_449] : memref<6400xi32, #tpu.memory_space<vmem>> -> memref<128xi32, #tpu.memory_space<vmem>>
    %dma_start3A_451 = arith.constant 0 : i32
    %dma_start3A_452 = arith.constant 0 : i32
    %dma_start3A_453 = tpu.memref_slice %arg3[%dma_start3A_451, %dma_start3A_452] : memref<100000x128xf32, #tpu.memory_space<hbm>> -> memref<100000x128xf32, #tpu.memory_space<hbm>>
    %dma_start3A_454 = tpu.memref_slice %arg7[%dma_start3A_444] : memref<5x!tpu.dma_semaphore, #tpu.memory_space<semaphore_mem>> -> memref<1x!tpu.dma_semaphore, #tpu.memory_space<semaphore_mem>>
    %dma_start3A_455 = tpu.memref_squeeze %dma_start3A_454 : memref<1x!tpu.dma_semaphore, #tpu.memory_space<semaphore_mem>> -> memref<!tpu.dma_semaphore, #tpu.memory_space<semaphore_mem>>
    tpu.enqueue_indirect_dma source(%dma_start3A_453 : memref<100000x128xf32, #tpu.memory_space<hbm>>) target(%dma_start3A_448 : memref<128x128xf32, #tpu.memory_space<vmem>>) offsets(%dma_start3A_450 : memref<128xi32, #tpu.memory_space<vmem>>) semaphore(%dma_start3A_455 : memref<!tpu.dma_semaphore, #tpu.memory_space<semaphore_mem>>)
    %add3A_456 = arith.constant 6016 : i32
    %add3A_457 = arith.addi %mul3A_2, %add3A_456 : i32
    %dma_start3A_458 = arith.constant 2 : i32
    %dma_start3A_459 = arith.constant 2 : i32
    %dma_start3A_460 = arith.constant 0 : i32
    %dma_start3A_461 = arith.constant 0 : i32
    %dma_start3A_462 = tpu.memref_slice %arg6[%dma_start3A_458, %dma_start3A_460, %dma_start3A_461] : memref<5x128x128xf32, #tpu.memory_space<vmem>> -> memref<1x128x128xf32, #tpu.memory_space<vmem>>
    %dma_start3A_463 = tpu.memref_squeeze %dma_start3A_462 : memref<1x128x128xf32, #tpu.memory_space<vmem>> -> memref<128x128xf32, #tpu.memory_space<vmem>>
    %dma_start3A_464 = arith.constant 0 : i32
    %dma_start3A_465 = tpu.memref_slice %arg4[%add3A_457, %dma_start3A_464] : memref<204800x128xf32, #tpu.memory_space<hbm>> -> memref<128x128xf32, #tpu.memory_space<hbm>>
    %dma_start3A_466 = tpu.memref_slice %arg8[%dma_start3A_459] : memref<5x!tpu.dma_semaphore, #tpu.memory_space<semaphore_mem>> -> memref<1x!tpu.dma_semaphore, #tpu.memory_space<semaphore_mem>>
    %dma_start3A_467 = tpu.memref_squeeze %dma_start3A_466 : memref<1x!tpu.dma_semaphore, #tpu.memory_space<semaphore_mem>> -> memref<!tpu.dma_semaphore, #tpu.memory_space<semaphore_mem>>
    %dma_start3A_468 = arith.constant 0 : i32
    %dma_start3A_469 = tpu.memref_slice %arg4[%add3A_457, %dma_start3A_468] : memref<204800x128xf32, #tpu.memory_space<hbm>> -> memref<128x128xf32, #tpu.memory_space<hbm>>
    %dma_start3A_470 = arith.constant 0 : i32
    %dma_start3A_471 = arith.constant 0 : i32
    %dma_start3A_472 = tpu.memref_slice %arg6[%dma_start3A_458, %dma_start3A_470, %dma_start3A_471] : memref<5x128x128xf32, #tpu.memory_space<vmem>> -> memref<1x128x128xf32, #tpu.memory_space<vmem>>
    %dma_start3A_473 = tpu.memref_squeeze %dma_start3A_472 : memref<1x128x128xf32, #tpu.memory_space<vmem>> -> memref<128x128xf32, #tpu.memory_space<vmem>>
    tpu.enqueue_dma source(%dma_start3A_473 : memref<128x128xf32, #tpu.memory_space<vmem>>) target(%dma_start3A_469 : memref<128x128xf32, #tpu.memory_space<hbm>>) target_semaphore(%dma_start3A_467 : memref<!tpu.dma_semaphore, #tpu.memory_space<semaphore_mem>>)
    %dma_wait3A_474 = arith.constant 3 : i32
    %dma_wait3A_475 = arith.constant 3 : i32
    %dma_wait3A_476 = arith.constant 0 : i32
    %dma_wait3A_477 = arith.constant 0 : i32
    %dma_wait3A_478 = tpu.memref_slice %arg6[%dma_wait3A_474, %dma_wait3A_476, %dma_wait3A_477] : memref<5x128x128xf32, #tpu.memory_space<vmem>> -> memref<1x128x128xf32, #tpu.memory_space<vmem>>
    %dma_wait3A_479 = tpu.memref_squeeze %dma_wait3A_478 : memref<1x128x128xf32, #tpu.memory_space<vmem>> -> memref<128x128xf32, #tpu.memory_space<vmem>>
    %dma_wait3A_480 = arith.constant 0 : i32
    %dma_wait3A_481 = tpu.memref_slice %arg5[%dma_wait3A_480] : memref<6400xi32, #tpu.memory_space<vmem>> -> memref<128xi32, #tpu.memory_space<vmem>>
    %dma_wait3A_482 = arith.constant 0 : i32
    %dma_wait3A_483 = arith.constant 0 : i32
    %dma_wait3A_484 = tpu.memref_slice %arg3[%dma_wait3A_482, %dma_wait3A_483] : memref<100000x128xf32, #tpu.memory_space<hbm>> -> memref<100000x128xf32, #tpu.memory_space<hbm>>
    %dma_wait3A_485 = tpu.memref_slice %arg7[%dma_wait3A_475] : memref<5x!tpu.dma_semaphore, #tpu.memory_space<semaphore_mem>> -> memref<1x!tpu.dma_semaphore, #tpu.memory_space<semaphore_mem>>
    %dma_wait3A_486 = tpu.memref_squeeze %dma_wait3A_485 : memref<1x!tpu.dma_semaphore, #tpu.memory_space<semaphore_mem>> -> memref<!tpu.dma_semaphore, #tpu.memory_space<semaphore_mem>>
    tpu.wait_indirect_dma semaphore(%dma_wait3A_486 : memref<!tpu.dma_semaphore, #tpu.memory_space<semaphore_mem>>) src(%dma_wait3A_484 : memref<100000x128xf32, #tpu.memory_space<hbm>>) dst(%dma_wait3A_479 : memref<128x128xf32, #tpu.memory_space<vmem>>)
    %add3A_487 = arith.constant 6144 : i32
    %add3A_488 = arith.addi %mul3A_2, %add3A_487 : i32
    %dma_start3A_489 = arith.constant 3 : i32
    %dma_start3A_490 = arith.constant 3 : i32
    %dma_start3A_491 = arith.constant 0 : i32
    %dma_start3A_492 = arith.constant 0 : i32
    %dma_start3A_493 = tpu.memref_slice %arg6[%dma_start3A_489, %dma_start3A_491, %dma_start3A_492] : memref<5x128x128xf32, #tpu.memory_space<vmem>> -> memref<1x128x128xf32, #tpu.memory_space<vmem>>
    %dma_start3A_494 = tpu.memref_squeeze %dma_start3A_493 : memref<1x128x128xf32, #tpu.memory_space<vmem>> -> memref<128x128xf32, #tpu.memory_space<vmem>>
    %dma_start3A_495 = arith.constant 0 : i32
    %dma_start3A_496 = tpu.memref_slice %arg4[%add3A_488, %dma_start3A_495] : memref<204800x128xf32, #tpu.memory_space<hbm>> -> memref<128x128xf32, #tpu.memory_space<hbm>>
    %dma_start3A_497 = tpu.memref_slice %arg8[%dma_start3A_490] : memref<5x!tpu.dma_semaphore, #tpu.memory_space<semaphore_mem>> -> memref<1x!tpu.dma_semaphore, #tpu.memory_space<semaphore_mem>>
    %dma_start3A_498 = tpu.memref_squeeze %dma_start3A_497 : memref<1x!tpu.dma_semaphore, #tpu.memory_space<semaphore_mem>> -> memref<!tpu.dma_semaphore, #tpu.memory_space<semaphore_mem>>
    %dma_start3A_499 = arith.constant 0 : i32
    %dma_start3A_500 = tpu.memref_slice %arg4[%add3A_488, %dma_start3A_499] : memref<204800x128xf32, #tpu.memory_space<hbm>> -> memref<128x128xf32, #tpu.memory_space<hbm>>
    %dma_start3A_501 = arith.constant 0 : i32
    %dma_start3A_502 = arith.constant 0 : i32
    %dma_start3A_503 = tpu.memref_slice %arg6[%dma_start3A_489, %dma_start3A_501, %dma_start3A_502] : memref<5x128x128xf32, #tpu.memory_space<vmem>> -> memref<1x128x128xf32, #tpu.memory_space<vmem>>
    %dma_start3A_504 = tpu.memref_squeeze %dma_start3A_503 : memref<1x128x128xf32, #tpu.memory_space<vmem>> -> memref<128x128xf32, #tpu.memory_space<vmem>>
    tpu.enqueue_dma source(%dma_start3A_504 : memref<128x128xf32, #tpu.memory_space<vmem>>) target(%dma_start3A_500 : memref<128x128xf32, #tpu.memory_space<hbm>>) target_semaphore(%dma_start3A_498 : memref<!tpu.dma_semaphore, #tpu.memory_space<semaphore_mem>>)
    %dma_wait3A_505 = arith.constant 4 : i32
    %dma_wait3A_506 = arith.constant 4 : i32
    %dma_wait3A_507 = arith.constant 0 : i32
    %dma_wait3A_508 = arith.constant 0 : i32
    %dma_wait3A_509 = tpu.memref_slice %arg6[%dma_wait3A_505, %dma_wait3A_507, %dma_wait3A_508] : memref<5x128x128xf32, #tpu.memory_space<vmem>> -> memref<1x128x128xf32, #tpu.memory_space<vmem>>
    %dma_wait3A_510 = tpu.memref_squeeze %dma_wait3A_509 : memref<1x128x128xf32, #tpu.memory_space<vmem>> -> memref<128x128xf32, #tpu.memory_space<vmem>>
    %dma_wait3A_511 = arith.constant 0 : i32
    %dma_wait3A_512 = tpu.memref_slice %arg5[%dma_wait3A_511] : memref<6400xi32, #tpu.memory_space<vmem>> -> memref<128xi32, #tpu.memory_space<vmem>>
    %dma_wait3A_513 = arith.constant 0 : i32
    %dma_wait3A_514 = arith.constant 0 : i32
    %dma_wait3A_515 = tpu.memref_slice %arg3[%dma_wait3A_513, %dma_wait3A_514] : memref<100000x128xf32, #tpu.memory_space<hbm>> -> memref<100000x128xf32, #tpu.memory_space<hbm>>
    %dma_wait3A_516 = tpu.memref_slice %arg7[%dma_wait3A_506] : memref<5x!tpu.dma_semaphore, #tpu.memory_space<semaphore_mem>> -> memref<1x!tpu.dma_semaphore, #tpu.memory_space<semaphore_mem>>
    %dma_wait3A_517 = tpu.memref_squeeze %dma_wait3A_516 : memref<1x!tpu.dma_semaphore, #tpu.memory_space<semaphore_mem>> -> memref<!tpu.dma_semaphore, #tpu.memory_space<semaphore_mem>>
    tpu.wait_indirect_dma semaphore(%dma_wait3A_517 : memref<!tpu.dma_semaphore, #tpu.memory_space<semaphore_mem>>) src(%dma_wait3A_515 : memref<100000x128xf32, #tpu.memory_space<hbm>>) dst(%dma_wait3A_510 : memref<128x128xf32, #tpu.memory_space<vmem>>)
    %add3A_518 = arith.constant 6272 : i32
    %add3A_519 = arith.addi %mul3A_2, %add3A_518 : i32
    %dma_start3A_520 = arith.constant 4 : i32
    %dma_start3A_521 = arith.constant 4 : i32
    %dma_start3A_522 = arith.constant 0 : i32
    %dma_start3A_523 = arith.constant 0 : i32
    %dma_start3A_524 = tpu.memref_slice %arg6[%dma_start3A_520, %dma_start3A_522, %dma_start3A_523] : memref<5x128x128xf32, #tpu.memory_space<vmem>> -> memref<1x128x128xf32, #tpu.memory_space<vmem>>
    %dma_start3A_525 = tpu.memref_squeeze %dma_start3A_524 : memref<1x128x128xf32, #tpu.memory_space<vmem>> -> memref<128x128xf32, #tpu.memory_space<vmem>>
    %dma_start3A_526 = arith.constant 0 : i32
    %dma_start3A_527 = tpu.memref_slice %arg4[%add3A_519, %dma_start3A_526] : memref<204800x128xf32, #tpu.memory_space<hbm>> -> memref<128x128xf32, #tpu.memory_space<hbm>>
    %dma_start3A_528 = tpu.memref_slice %arg8[%dma_start3A_521] : memref<5x!tpu.dma_semaphore, #tpu.memory_space<semaphore_mem>> -> memref<1x!tpu.dma_semaphore, #tpu.memory_space<semaphore_mem>>
    %dma_start3A_529 = tpu.memref_squeeze %dma_start3A_528 : memref<1x!tpu.dma_semaphore, #tpu.memory_space<semaphore_mem>> -> memref<!tpu.dma_semaphore, #tpu.memory_space<semaphore_mem>>
    %dma_start3A_530 = arith.constant 0 : i32
    %dma_start3A_531 = tpu.memref_slice %arg4[%add3A_519, %dma_start3A_530] : memref<204800x128xf32, #tpu.memory_space<hbm>> -> memref<128x128xf32, #tpu.memory_space<hbm>>
    %dma_start3A_532 = arith.constant 0 : i32
    %dma_start3A_533 = arith.constant 0 : i32
    %dma_start3A_534 = tpu.memref_slice %arg6[%dma_start3A_520, %dma_start3A_532, %dma_start3A_533] : memref<5x128x128xf32, #tpu.memory_space<vmem>> -> memref<1x128x128xf32, #tpu.memory_space<vmem>>
    %dma_start3A_535 = tpu.memref_squeeze %dma_start3A_534 : memref<1x128x128xf32, #tpu.memory_space<vmem>> -> memref<128x128xf32, #tpu.memory_space<vmem>>
    tpu.enqueue_dma source(%dma_start3A_535 : memref<128x128xf32, #tpu.memory_space<vmem>>) target(%dma_start3A_531 : memref<128x128xf32, #tpu.memory_space<hbm>>) target_semaphore(%dma_start3A_529 : memref<!tpu.dma_semaphore, #tpu.memory_space<semaphore_mem>>)
    %dma_wait3A_536 = arith.constant 0 : i32
    %dma_wait3A_537 = arith.constant 0 : i32
    %dma_wait3A_538 = arith.constant 0 : i32
    %dma_wait3A_539 = arith.constant 0 : i32
    %dma_wait3A_540 = tpu.memref_slice %arg6[%dma_wait3A_536, %dma_wait3A_538, %dma_wait3A_539] : memref<5x128x128xf32, #tpu.memory_space<vmem>> -> memref<1x128x128xf32, #tpu.memory_space<vmem>>
    %dma_wait3A_541 = tpu.memref_squeeze %dma_wait3A_540 : memref<1x128x128xf32, #tpu.memory_space<vmem>> -> memref<128x128xf32, #tpu.memory_space<vmem>>
    %dma_wait3A_542 = arith.constant 0 : i32
    %dma_wait3A_543 = arith.constant 0 : i32
    %dma_wait3A_544 = tpu.memref_slice %arg4[%dma_wait3A_542, %dma_wait3A_543] : memref<204800x128xf32, #tpu.memory_space<hbm>> -> memref<128x128xf32, #tpu.memory_space<hbm>>
    %dma_wait3A_545 = tpu.memref_slice %arg8[%dma_wait3A_537] : memref<5x!tpu.dma_semaphore, #tpu.memory_space<semaphore_mem>> -> memref<1x!tpu.dma_semaphore, #tpu.memory_space<semaphore_mem>>
    %dma_wait3A_546 = tpu.memref_squeeze %dma_wait3A_545 : memref<1x!tpu.dma_semaphore, #tpu.memory_space<semaphore_mem>> -> memref<!tpu.dma_semaphore, #tpu.memory_space<semaphore_mem>>
    %dma_wait3A_547 = arith.constant 0 : i32
    %dma_wait3A_548 = arith.constant 0 : i32
    %dma_wait3A_549 = tpu.memref_slice %arg4[%dma_wait3A_547, %dma_wait3A_548] : memref<204800x128xf32, #tpu.memory_space<hbm>> -> memref<128x128xf32, #tpu.memory_space<hbm>>
    %dma_wait3A_550 = arith.constant 0 : i32
    %dma_wait3A_551 = arith.constant 0 : i32
    %dma_wait3A_552 = tpu.memref_slice %arg6[%dma_wait3A_536, %dma_wait3A_550, %dma_wait3A_551] : memref<5x128x128xf32, #tpu.memory_space<vmem>> -> memref<1x128x128xf32, #tpu.memory_space<vmem>>
    %dma_wait3A_553 = tpu.memref_squeeze %dma_wait3A_552 : memref<1x128x128xf32, #tpu.memory_space<vmem>> -> memref<128x128xf32, #tpu.memory_space<vmem>>
    tpu.wait_dma2 semaphore(%dma_wait3A_546 : memref<!tpu.dma_semaphore, #tpu.memory_space<semaphore_mem>>) src(%dma_wait3A_553 : memref<128x128xf32, #tpu.memory_space<vmem>>) dst(%dma_wait3A_549 : memref<128x128xf32, #tpu.memory_space<hbm>>)
    %dma_wait3A_554 = arith.constant 1 : i32
    %dma_wait3A_555 = arith.constant 1 : i32
    %dma_wait3A_556 = arith.constant 0 : i32
    %dma_wait3A_557 = arith.constant 0 : i32
    %dma_wait3A_558 = tpu.memref_slice %arg6[%dma_wait3A_554, %dma_wait3A_556, %dma_wait3A_557] : memref<5x128x128xf32, #tpu.memory_space<vmem>> -> memref<1x128x128xf32, #tpu.memory_space<vmem>>
    %dma_wait3A_559 = tpu.memref_squeeze %dma_wait3A_558 : memref<1x128x128xf32, #tpu.memory_space<vmem>> -> memref<128x128xf32, #tpu.memory_space<vmem>>
    %dma_wait3A_560 = arith.constant 0 : i32
    %dma_wait3A_561 = arith.constant 0 : i32
    %dma_wait3A_562 = tpu.memref_slice %arg4[%dma_wait3A_560, %dma_wait3A_561] : memref<204800x128xf32, #tpu.memory_space<hbm>> -> memref<128x128xf32, #tpu.memory_space<hbm>>
    %dma_wait3A_563 = tpu.memref_slice %arg8[%dma_wait3A_555] : memref<5x!tpu.dma_semaphore, #tpu.memory_space<semaphore_mem>> -> memref<1x!tpu.dma_semaphore, #tpu.memory_space<semaphore_mem>>
    %dma_wait3A_564 = tpu.memref_squeeze %dma_wait3A_563 : memref<1x!tpu.dma_semaphore, #tpu.memory_space<semaphore_mem>> -> memref<!tpu.dma_semaphore, #tpu.memory_space<semaphore_mem>>
    %dma_wait3A_565 = arith.constant 0 : i32
    %dma_wait3A_566 = arith.constant 0 : i32
    %dma_wait3A_567 = tpu.memref_slice %arg4[%dma_wait3A_565, %dma_wait3A_566] : memref<204800x128xf32, #tpu.memory_space<hbm>> -> memref<128x128xf32, #tpu.memory_space<hbm>>
    %dma_wait3A_568 = arith.constant 0 : i32
    %dma_wait3A_569 = arith.constant 0 : i32
    %dma_wait3A_570 = tpu.memref_slice %arg6[%dma_wait3A_554, %dma_wait3A_568, %dma_wait3A_569] : memref<5x128x128xf32, #tpu.memory_space<vmem>> -> memref<1x128x128xf32, #tpu.memory_space<vmem>>
    %dma_wait3A_571 = tpu.memref_squeeze %dma_wait3A_570 : memref<1x128x128xf32, #tpu.memory_space<vmem>> -> memref<128x128xf32, #tpu.memory_space<vmem>>
    tpu.wait_dma2 semaphore(%dma_wait3A_564 : memref<!tpu.dma_semaphore, #tpu.memory_space<semaphore_mem>>) src(%dma_wait3A_571 : memref<128x128xf32, #tpu.memory_space<vmem>>) dst(%dma_wait3A_567 : memref<128x128xf32, #tpu.memory_space<hbm>>)
    %dma_wait3A_572 = arith.constant 2 : i32
    %dma_wait3A_573 = arith.constant 2 : i32
    %dma_wait3A_574 = arith.constant 0 : i32
    %dma_wait3A_575 = arith.constant 0 : i32
    %dma_wait3A_576 = tpu.memref_slice %arg6[%dma_wait3A_572, %dma_wait3A_574, %dma_wait3A_575] : memref<5x128x128xf32, #tpu.memory_space<vmem>> -> memref<1x128x128xf32, #tpu.memory_space<vmem>>
    %dma_wait3A_577 = tpu.memref_squeeze %dma_wait3A_576 : memref<1x128x128xf32, #tpu.memory_space<vmem>> -> memref<128x128xf32, #tpu.memory_space<vmem>>
    %dma_wait3A_578 = arith.constant 0 : i32
    %dma_wait3A_579 = arith.constant 0 : i32
    %dma_wait3A_580 = tpu.memref_slice %arg4[%dma_wait3A_578, %dma_wait3A_579] : memref<204800x128xf32, #tpu.memory_space<hbm>> -> memref<128x128xf32, #tpu.memory_space<hbm>>
    %dma_wait3A_581 = tpu.memref_slice %arg8[%dma_wait3A_573] : memref<5x!tpu.dma_semaphore, #tpu.memory_space<semaphore_mem>> -> memref<1x!tpu.dma_semaphore, #tpu.memory_space<semaphore_mem>>
    %dma_wait3A_582 = tpu.memref_squeeze %dma_wait3A_581 : memref<1x!tpu.dma_semaphore, #tpu.memory_space<semaphore_mem>> -> memref<!tpu.dma_semaphore, #tpu.memory_space<semaphore_mem>>
    %dma_wait3A_583 = arith.constant 0 : i32
    %dma_wait3A_584 = arith.constant 0 : i32
    %dma_wait3A_585 = tpu.memref_slice %arg4[%dma_wait3A_583, %dma_wait3A_584] : memref<204800x128xf32, #tpu.memory_space<hbm>> -> memref<128x128xf32, #tpu.memory_space<hbm>>
    %dma_wait3A_586 = arith.constant 0 : i32
    %dma_wait3A_587 = arith.constant 0 : i32
    %dma_wait3A_588 = tpu.memref_slice %arg6[%dma_wait3A_572, %dma_wait3A_586, %dma_wait3A_587] : memref<5x128x128xf32, #tpu.memory_space<vmem>> -> memref<1x128x128xf32, #tpu.memory_space<vmem>>
    %dma_wait3A_589 = tpu.memref_squeeze %dma_wait3A_588 : memref<1x128x128xf32, #tpu.memory_space<vmem>> -> memref<128x128xf32, #tpu.memory_space<vmem>>
    tpu.wait_dma2 semaphore(%dma_wait3A_582 : memref<!tpu.dma_semaphore, #tpu.memory_space<semaphore_mem>>) src(%dma_wait3A_589 : memref<128x128xf32, #tpu.memory_space<vmem>>) dst(%dma_wait3A_585 : memref<128x128xf32, #tpu.memory_space<hbm>>)
    %dma_wait3A_590 = arith.constant 3 : i32
    %dma_wait3A_591 = arith.constant 3 : i32
    %dma_wait3A_592 = arith.constant 0 : i32
    %dma_wait3A_593 = arith.constant 0 : i32
    %dma_wait3A_594 = tpu.memref_slice %arg6[%dma_wait3A_590, %dma_wait3A_592, %dma_wait3A_593] : memref<5x128x128xf32, #tpu.memory_space<vmem>> -> memref<1x128x128xf32, #tpu.memory_space<vmem>>
    %dma_wait3A_595 = tpu.memref_squeeze %dma_wait3A_594 : memref<1x128x128xf32, #tpu.memory_space<vmem>> -> memref<128x128xf32, #tpu.memory_space<vmem>>
    %dma_wait3A_596 = arith.constant 0 : i32
    %dma_wait3A_597 = arith.constant 0 : i32
    %dma_wait3A_598 = tpu.memref_slice %arg4[%dma_wait3A_596, %dma_wait3A_597] : memref<204800x128xf32, #tpu.memory_space<hbm>> -> memref<128x128xf32, #tpu.memory_space<hbm>>
    %dma_wait3A_599 = tpu.memref_slice %arg8[%dma_wait3A_591] : memref<5x!tpu.dma_semaphore, #tpu.memory_space<semaphore_mem>> -> memref<1x!tpu.dma_semaphore, #tpu.memory_space<semaphore_mem>>
    %dma_wait3A_600 = tpu.memref_squeeze %dma_wait3A_599 : memref<1x!tpu.dma_semaphore, #tpu.memory_space<semaphore_mem>> -> memref<!tpu.dma_semaphore, #tpu.memory_space<semaphore_mem>>
    %dma_wait3A_601 = arith.constant 0 : i32
    %dma_wait3A_602 = arith.constant 0 : i32
    %dma_wait3A_603 = tpu.memref_slice %arg4[%dma_wait3A_601, %dma_wait3A_602] : memref<204800x128xf32, #tpu.memory_space<hbm>> -> memref<128x128xf32, #tpu.memory_space<hbm>>
    %dma_wait3A_604 = arith.constant 0 : i32
    %dma_wait3A_605 = arith.constant 0 : i32
    %dma_wait3A_606 = tpu.memref_slice %arg6[%dma_wait3A_590, %dma_wait3A_604, %dma_wait3A_605] : memref<5x128x128xf32, #tpu.memory_space<vmem>> -> memref<1x128x128xf32, #tpu.memory_space<vmem>>
    %dma_wait3A_607 = tpu.memref_squeeze %dma_wait3A_606 : memref<1x128x128xf32, #tpu.memory_space<vmem>> -> memref<128x128xf32, #tpu.memory_space<vmem>>
    tpu.wait_dma2 semaphore(%dma_wait3A_600 : memref<!tpu.dma_semaphore, #tpu.memory_space<semaphore_mem>>) src(%dma_wait3A_607 : memref<128x128xf32, #tpu.memory_space<vmem>>) dst(%dma_wait3A_603 : memref<128x128xf32, #tpu.memory_space<hbm>>)
    %dma_wait3A_608 = arith.constant 4 : i32
    %dma_wait3A_609 = arith.constant 4 : i32
    %dma_wait3A_610 = arith.constant 0 : i32
    %dma_wait3A_611 = arith.constant 0 : i32
    %dma_wait3A_612 = tpu.memref_slice %arg6[%dma_wait3A_608, %dma_wait3A_610, %dma_wait3A_611] : memref<5x128x128xf32, #tpu.memory_space<vmem>> -> memref<1x128x128xf32, #tpu.memory_space<vmem>>
    %dma_wait3A_613 = tpu.memref_squeeze %dma_wait3A_612 : memref<1x128x128xf32, #tpu.memory_space<vmem>> -> memref<128x128xf32, #tpu.memory_space<vmem>>
    %dma_wait3A_614 = arith.constant 0 : i32
    %dma_wait3A_615 = arith.constant 0 : i32
    %dma_wait3A_616 = tpu.memref_slice %arg4[%dma_wait3A_614, %dma_wait3A_615] : memref<204800x128xf32, #tpu.memory_space<hbm>> -> memref<128x128xf32, #tpu.memory_space<hbm>>
    %dma_wait3A_617 = tpu.memref_slice %arg8[%dma_wait3A_609] : memref<5x!tpu.dma_semaphore, #tpu.memory_space<semaphore_mem>> -> memref<1x!tpu.dma_semaphore, #tpu.memory_space<semaphore_mem>>
    %dma_wait3A_618 = tpu.memref_squeeze %dma_wait3A_617 : memref<1x!tpu.dma_semaphore, #tpu.memory_space<semaphore_mem>> -> memref<!tpu.dma_semaphore, #tpu.memory_space<semaphore_mem>>
    %dma_wait3A_619 = arith.constant 0 : i32
    %dma_wait3A_620 = arith.constant 0 : i32
    %dma_wait3A_621 = tpu.memref_slice %arg4[%dma_wait3A_619, %dma_wait3A_620] : memref<204800x128xf32, #tpu.memory_space<hbm>> -> memref<128x128xf32, #tpu.memory_space<hbm>>
    %dma_wait3A_622 = arith.constant 0 : i32
    %dma_wait3A_623 = arith.constant 0 : i32
    %dma_wait3A_624 = tpu.memref_slice %arg6[%dma_wait3A_608, %dma_wait3A_622, %dma_wait3A_623] : memref<5x128x128xf32, #tpu.memory_space<vmem>> -> memref<1x128x128xf32, #tpu.memory_space<vmem>>
    %dma_wait3A_625 = tpu.memref_squeeze %dma_wait3A_624 : memref<1x128x128xf32, #tpu.memory_space<vmem>> -> memref<128x128xf32, #tpu.memory_space<vmem>>
    tpu.wait_dma2 semaphore(%dma_wait3A_618 : memref<!tpu.dma_semaphore, #tpu.memory_space<semaphore_mem>>) src(%dma_wait3A_625 : memref<128x128xf32, #tpu.memory_space<vmem>>) dst(%dma_wait3A_621 : memref<128x128xf32, #tpu.memory_space<hbm>>)
    return
  }
}

</mosaic_0001>

<sc_bundles>
// kernel: kernel.3.cloned.1.call-start
scs
__scs_entry_jumppad:
0x0: {  	(pc) =	sbr.rel $0x88, $3  }
0x1: {  	(tag) =	ssettag $0x0;
	lr =	simm.s32 $0x1  }
0x2: {  	[smem:$0x3F9E] =	sst lr;
	_ =	strace $0xD0000000  }
0x3: {  	_ = 	snop  }
0x4: {  	_ = 	snop  }
0x5: {  	_ = 	snop  }
0x6: {  	_ = 	snop  }
0x7: {  	_ = 	snop  }
__scs_overlays_trampoline_lowered:
0x8: {  	[smem:$0x3FAD] =	sst s0  }
0x9: {  	[smem:$0x3FAE] =	sst s1  }
0xa: {  	[smem:$0x3FAF] =	sst s2  }
0xb: {  	[smem:$0x3FB0] =	sst s3  }
0xc: {  	[smem:$0x3FB1] =	sst s4  }
0xd: {  	[smem:$0x3FB2] =	sst s5  }
0xe: {  	[smem:$0x3FB3] =	sst s6  }
0xf: {  	[smem:$0x3FB4] =	sst s7  }
0x10: {  	[smem:$0x3FB5] =	sst s8  }
0x11: {  	[smem:$0x3FB6] =	sst s9;
	s0 =	simm.s32 @!p0 $0x0  }
0x12: {  	s1 =	sld [smem:$0x3F9C];
	s0 =	simm.s32 @p0 $0x1  }
0x13: {  	[smem:$0x3FB7] =	sst s0;
	s0 =	simm.s32 @!p1 $0x0  }
0x14: {  	s2 =	sld [smem:$0x3F9B];
	s0 =	simm.s32 @p1 $0x1  }
0x15: {  	[smem:$0x3FB8] =	sst s0;
	s0 =	simm.s32 @!p2 $0x0  }
0x16: {  	s3 =	sld [smem:$0x3FDB];
	s0 =	simm.s32 @p2 $0x1  }
0x17: {  	s4 =	simm.s32 $0x1BF5;
	[smem:$0x3FBA] =	sst s0  }
0x18: {  	s0 =	sld [smem:$0x3F9D];
	_ =	swait.ge [sflag:s4], $0x0  }
0x19: {  	s7 =	sld [smem:$0x3F9E]  }
0x1a: {  	s8 =	sadd.s32 $0xFFFFE003, lr  }
0x1b: {  	s9 =	sadd.s32 $0xFFFFFEF7, lr;
	s5 =	simm.s32 $0xFFFFFFFF;
	p2 =	slt.u32 s8, $0xFFFFF086  }
0x1c: {  	p1 =	slt.u32 s9, $0xF7A;
	s5 =	simm.s32 @!p2 $0x0  }
0x1d: {  	s5 =	simm.s32 @p1 $0x1;
	p0 =	seq.s32 s7, s2  }
0x1e: {  	s7 =	smul.u32 @!p0 $0xF7A, s2;
	p2 =	seq.s32 @!p0 s5, $0x0  }
0x1f: {  	s9 =	smul.u32 $0xF7A, s1;
	s8 =	simm.s32 @!p0 $0x1BF5;
	p2 =	por !p2, p0  }
0x20: {  	[sflag:s8] =	ssyncset.s32 @!p0 $0xFFFFF086;
	s6 =	sadd.s32 @!p0 s3, s7;
	s7 =	simm.s32 @!p0 $0x108  }
0x21: {  	s3 =	sadd.s32 s3, s9;
	s6 =	sadd.s32 @!p0 $0x88, s6;
	s7 =	simm.s32 @p2 $0x1082  }
0x22: {  	[simem:s7], [sflag:s8] =	dma.local @!p0 [hbm:s6], $0xF7A  }
0x23: {  	s9 =	sor.u32 $0xD0000000, s2;
	s6 =	simm.s32 $0x108;
	_ =	swait.ge @!p0 [sflag:s8], $0x0  }
0x24: {  	s3 =	sadd.s32 $0x88, s3;
	s6 =	simm.s32 @!p1 $0x1082;
	[sflag:s4] =	ssyncset.s32 $0xFFFFF086  }
0x25: {  	[simem:s6], [sflag:s4] =	dma.local [hbm:s3], $0xF7A  }
0x26: {  	[smem:$0x3F9E] =	sst s1;
	(tag) =	ssettag s2;
	_ =	strace s9  }
0x27: {  	s1 =	sld [smem:$0x3FAE]  }
0x28: {  	s2 =	sld [smem:$0x3FAF]  }
0x29: {  	s4 =	sld [smem:$0x3FB1]  }
0x2a: {  	p0 =	seq.s32 s5, $0x0;
	s5 =	sld [smem:$0x3FB2]  }
0x2b: {  	s6 =	sld [smem:$0x3FB3]  }
0x2c: {  	s7 =	sld [smem:$0x3FB4]  }
0x2d: {  	s3 =	simm.s32 $0x108;
	s8 =	sld [smem:$0x3FB5]  }
0x2e: {  	s3 =	simm.s32 @!p0 $0x1082;
	s9 =	sld [smem:$0x3FB6]  }
0x2f: {  	lr =	sadd.s32 s0, s3;
	s0 =	sld [smem:$0x3FAD]  }
0x30: {  	s3 =	sld [smem:$0x3FB0]  }
0x31: {  	[smem:$0x3FB9] =	sst s10  }
0x32: {  	s10 =	sld [smem:$0x3FB7];
	_ =	sdelay $0x3  }
0x33: {  	p0 =	seq.s32 s10, $0x1;
	s10 =	sld [smem:$0x3FB9];
	_ =	sdelay $0x3  }
0x34: {  	[smem:$0x3FB9] =	sst s10  }
0x35: {  	s10 =	sld [smem:$0x3FB8];
	_ =	sdelay $0x3  }
0x36: {  	p1 =	seq.s32 s10, $0x1;
	s10 =	sld [smem:$0x3FB9];
	_ =	sdelay $0x3  }
0x37: {  	[smem:$0x3FB9] =	sst s10  }
0x38: {  	s10 =	sld [smem:$0x3FBA]  }
0x39: {  	_ = 	snop;
	(pc) =	sbr.ind lr, $3  }
0x3a: {  	_ = 	snop  }
0x3b: {  	_ = 	snop  }
0x3c: {  	p2 =	seq.s32 s10, $0x1;
	s10 =	sld [smem:$0x3FB9]  }
0x3d: {  	_ =	shalt  }
0x3e: {  	_ =	shalt  }
0x3f: {  	_ =	shalt  }
0x40: {  	_ =	shalt  }
0x41: {  	_ =	shalt  }
0x42: {  	_ =	shalt  }
0x43: {  	_ =	shalt  }
0x44: {  	_ =	shalt  }
0x45: {  	_ =	shalt  }
0x46: {  	_ =	shalt  }
0x47: {  	_ =	shalt  }
0x48: {  	_ =	shalt  }
0x49: {  	_ =	shalt  }
0x4a: {  	_ =	shalt  }
0x4b: {  	_ =	shalt  }
0x4c: {  	_ =	shalt  }
0x4d: {  	_ =	shalt  }
0x4e: {  	_ =	shalt  }
0x4f: {  	_ =	shalt  }
0x50: {  	_ =	shalt  }
0x51: {  	_ =	shalt  }
0x52: {  	_ =	shalt  }
0x53: {  	_ =	shalt  }
0x54: {  	_ =	shalt  }
0x55: {  	_ =	shalt  }
0x56: {  	_ =	shalt  }
0x57: {  	_ =	shalt  }
0x58: {  	_ =	shalt  }
0x59: {  	_ =	shalt  }
0x5a: {  	_ =	shalt  }
0x5b: {  	_ =	shalt  }
0x5c: {  	_ =	shalt  }
0x5d: {  	_ =	shalt  }
0x5e: {  	_ =	shalt  }
0x5f: {  	_ =	shalt  }
0x60: {  	_ =	shalt  }
0x61: {  	_ =	shalt  }
0x62: {  	_ =	shalt  }
0x63: {  	_ =	shalt  }
0x64: {  	_ =	shalt  }
0x65: {  	_ =	shalt  }
0x66: {  	_ =	shalt  }
0x67: {  	_ =	shalt  }
0x68: {  	_ =	shalt  }
0x69: {  	_ =	shalt  }
0x6a: {  	_ =	shalt  }
0x6b: {  	_ =	shalt  }
0x6c: {  	_ =	shalt  }
0x6d: {  	_ =	shalt  }
0x6e: {  	_ =	shalt  }
0x6f: {  	_ =	shalt  }
0x70: {  	_ =	shalt  }
0x71: {  	_ =	shalt  }
0x72: {  	_ =	shalt  }
0x73: {  	_ =	shalt  }
0x74: {  	_ =	shalt  }
0x75: {  	_ =	shalt  }
0x76: {  	_ =	shalt  }
0x77: {  	_ =	shalt  }
0x78: {  	_ =	shalt  }
0x79: {  	_ =	shalt  }
0x7a: {  	_ =	shalt  }
0x7b: {  	_ =	shalt  }
0x7c: {  	_ =	shalt  }
0x7d: {  	_ =	shalt  }
0x7e: {  	_ =	shalt  }
0x7f: {  	_ =	shalt  }
0x80: {  	_ =	shalt  }
0x81: {  	_ =	shalt  }
0x82: {  	_ =	shalt  }
0x83: {  	_ =	shalt  }
0x84: {  	_ =	shalt  }
0x85: {  	_ =	shalt  }
0x86: {  	_ =	shalt  }
0x87: {  	_ =	shalt  }
.Lfunc_end0:
.L_simem_size_0:
called_computation.1_lowered:
.L_overlay_start_0:
0x88: {  	s2 =	sld [smem:$0x3FD9]  }
0x89: {  	s3 =	sld [smem:$0x3FFE];
	_ =	sdelay $0x1  }
0x8a: {  	s1 =	srdreg.scid  }
0x8b: {  	s0 =	sand.u32 $0x1, s1  }
0x8c: {  	s17 =	sshll.u32 s0, $0xA;
	s2 =	sadd.s32 s3, s2  }
0x8d: {  	s2 =	sadd.s32 s2, s17  }
0x8e: {  	[smem:$0x3FC5] =	sst s2  }
0x8f: {  	_ = 	snop  }
0x90: {  	s2 =	sld [smem:$0x3FD0];
	(tm) =	ssettm $0x1  }
0x91: {  	s18 =	sld [smem:$0x3FFB];
	_ =	sdelay $0x3  }
0x92: {  	_ =	strace s18  }
0x93: {  	s3 =	sld [smem:$0x3FFC];
	_ =	sdelay $0x3  }
0x94: {  	_ =	strace s3  }
0x95: {  	s3 =	sld [smem:$0x3FFD];
	_ =	sdelay $0x3  }
0x96: {  	_ =	strace s3  }
0x97: {  	_ =	strace $0x8FFFFFFF  }
0x98: {  	s19 =	sld [smem:$0x3FDB];
	_ =	sdelay $0x1  }
0x99: {  	s4 =	simm.s32 $_scs_section_size  }
0x9a: {  	s5 =	simm.s32 $_size__tile_overlayer_lowered;
	s6 =	simm.s32 $_tile_overlayer_lowered  }
0x9b: {  	s22 =	simm.s32 $0x1BFF;
	s21 =	sshll.u32 s6, $0x1;
	s3 =	sadd.s32 s4, s19  }
0x9c: {  	s7 =	simm.s32 $0x0;
	s20 =	sshll.u32 s5, $0x1;
	s5 =	sadd.s32 s21, s3  }
0x9d: {  	[timem:s7], [sflag:s22] =	dma.local [hbm:s5], s20  }
0x9e: {  	_ =	swait.ge [sflag:s22], s20  }
0x9f: {  	s4 =	ssub.s32 $0x0, s20;
	[sflag:s22] =	ssyncset.done $0x0  }
0xa0: {  	[sflag:s22] =	ssyncadd.s32 s4;
	_ =	sdelay $0x1  }
0xa1: {  	s23 =	simm.s32 $0x1B8B  }
0xa2: {  	_ =	swait.ge [sflag:s23], $0x1  }
0xa3: {  	[sflag:s23] =	ssyncset.done $0x0  }
0xa4: {  	s25 =	simm.s32 $0x1B8E;
	s24 =	sld [smem:$0x3FFE];
	[sflag:s23] =	ssyncadd.s32 $0xFFFFFFFF  }
0xa5: {  	s26 =	simm.s32 $execute0_lowered;
	[smem:$0x3FD2] =	sst s25  }
0xa6: {  	s5 =	sshll.u32 s26, $0x1;
	_ =	strace $0x80000046;
	[dreg:$0x1] =	wrdreg $0xFFFFFFFF  }
0xa7: {  	s28 =	simm.s32 $_size_execute0_lowered;
	s3 =	sadd.s32 s3, s5;
	[dreg:$0x0] =	wrdreg $0x0  }
0xa8: {  	s5 =	sshll.u32 s28, $0x1;
	[dreg:$0x2] =	wrdreg s3  }
0xa9: {  	[dreg:$0x3] =	wrdreg s5  }
0xaa: {  	[dreg:$0x4] =	wrdreg $0xC0  }
0xab: {  	_ =	task [dreg:s7], $0x5FFFF  }
0xac: {  	[dreg:$0x1] =	wrdreg $0xFFFFFFFF  }
0xad: {  	[dreg:$0x0] =	wrdreg $0x60  }
0xae: {  	[dreg:$0x2] =	wrdreg s24  }
0xaf: {  	[dreg:$0x3] =	wrdreg s2  }
0xb0: {  	[dreg:$0x4] =	wrdreg $0x9  }
0xb1: {  	_ =	task.clear_ibuf [dreg:s7], $0x5FFFF;
	_ =	strace $0x90000046  }
0xb2: {  	s29 =	simm.s32 $0x9;
	_ =	strace $0x80000048  }
0xb3: {  	_ =	swait.ge [sflag:s29], $0x1  }
0xb4: {  	[sflag:s29] =	ssyncadd.s32 $0xFFFFFFFF  }
0xb5: {  	_ =	strace $0x90000048  }
0xb6: {  	_ =	sfence  }
0xb7: {  	s30 =	sld [smem:$0x0];
	_ =	sdelay $0x2  }
0xb8: {  	s31 =	sshll.u32 s1, $0xD;
	s1 =	sshrl.u32 s1, $0x2  }
0xb9: {  	s3 =	sand.u32 $0x4000, s31;
	s1 =	sadd.s32 s1, s30  }
0xba: {  	s0 =	sor.u32 s3, s0;
	s1 =	sshll.u32 s1, $0x11  }
0xbb: {  	s0 =	sor.u32 s1, s0  }
0xbc: {  	s0 =	sadd.s32 $0x8F2B, s0  }
0xbd: {  	[sflag:s0] =	ssyncadd.remote.s32 $0x1  }
0xbe: {  	_ =	sfence.sel $0xFFFF  }
0xbf: {  	[dreg:$0x0] =	wrdreg $0xFFFFFFFF;
	(pc) =	sbr.abs _section_cstart, $3  }
0xc0: {  	[dreg:$0x1] =	wrdreg $0xFFFFFFFF  }
0xc1: {  	_ =	task.clear_ibuf [dreg:s7], $0x2FFFF;
	_ =	strace $0x9FFFFFFF  }
0xc2: {  	(tm) =	ssettm $0x7FFFFFFF  }
0xc3: {  	_ =	shalt  }
tec
execute0_lowered:
.L_overlay_start_1:
0x0: {  	(tag) =	ssettag $0x1  }
0x1: {  	s0 =	srdreg.scid  }
0x2: {  	s9 =	stileid.u32;
	s1 =	rddreg [dreg:$0x0]  }
0x3: {  	s5 =	rddreg [dreg:$0x1];
	s17 =	simm.s32 $0xB;
	s28 =	simm.s32 $0x3  }
0x4: {  	s0 =	sand.u32 $0x1, s0;
	s2 =	sshll.u32 s9, $0x1;
	s24 =	smul.u32 $0x32000, s9  }
0x5: {  	s3 =	sor.u32 s0, s2;
	s18 =	ssub.s32 $0x2, s0;
	s0 =	smul.u32 $0x19000, s0  }
0x6: {  	s30 =	simm.s32 $0x11900;
	s31 =	simm.s32 $0x4;
	s4 =	smul.u32 $0x1900, s3  }
0x7: {  	s29 =	simm.s32 $0x9;
	s2 =	simm.s32 $0x0;
	s6 =	smul.u32 $0xC8000, s3  }
0x8: {  	[smem:$0x7FF] =	sst s2;
	s8 =	smul.u32 $0x19000, s3;
	s3 =	sadd.s32 $0x6C00, s1  }
0x9: {  	s19 =	sshrl.u32 s18, $0x1;
	_ =	strace $0x80000047;
	s4 =	sshrl.u32 s4, $0x3  }
0xa: {  	s6 =	sshrl.u32 s6, $0x3;
	s7 =	sadd.s32 s4, s1;
	s1 =	ssub.s32 s18, s19  }
0xb: {  	s4 =	sadd.s32 s5, s8;
	s6 =	sadd.s32 s5, s6;
	s5 =	sadd.s32 s24, s5  }
0xc: {  	s18 =	simm.s32 $0x80;
	s19 =	simm.s32 $0x1900;
	s24 =	simm.s32 $0x2  }
0xd: {  	s7 =	sadd.s32 $0x800, s7;
	s20 =	sadd.s32 $0x800, s4;
	s21 =	sadd.s32 $0x1000, s6  }
0xe: {  	s22 =	sadd.s32 $0x1800, s6;
	s23 =	sadd.s32 $0x2000, s6;
	[dreg:$0x3] =	wrdreg s7  }
0xf: {  	s25 =	sadd.s32 $0x16800, s6;
	s26 =	sadd.s32 $0x17000, s6;
	[dreg:$0x4] =	wrdreg s20  }
0x10: {  	s12 =	sadd.s32 $0x17800, s6;
	s13 =	sadd.s32 $0x18000, s6;
	[dreg:$0x5] =	wrdreg s21  }
0x11: {  	s14 =	sadd.s32 $0x18800, s6;
	s15 =	smax.u32 s1, $0x1;
	[dreg:$0x6] =	wrdreg s22  }
0x12: {  	s0 =	sadd.s32 s0, s5;
	s1 =	simm.s32 $0x6;
	[dreg:$0x7] =	wrdreg s23  }
0x13: {  	s5 =	simm.s32 $0xA;
	s6 =	simm.s32 $0x0;
	[dreg:$0x8] =	wrdreg s25  }
0x14: {  	[dreg:$0x9] =	wrdreg s26;
	s9 =	sadd.s32 $0x4800, s0;
	s20 =	simm.s32 $0x5900  }
0x15: {  	s21 =	simm.s32 $0x1;
	s23 =	simm.s32 $0x9900;
	s26 =	simm.s32 $0xD900  }
0x16: {  	s22 =	simm.s32 $0x5;
	s25 =	simm.s32 $0x7;
	s0 =	simm.s32 $0x8  }
.LBB2_1:
0x17: {  	s7 =	rddreg [dreg:$0x3]  }
0x18: {  	[tilespmem:s2], [sflag:$0xB] =	stream.linear.gather [hbm4b:s7+s2], $0x1900, $0x38;
	[tilespmem:$0x15900] =	vst v63  }
0x19: {  	_ =	swait.ge [sflag:s17], $0x1900  }
0x1a: {  	[sflag:s17] =	ssyncset.done $0x0  }
0x1b: {  	[sflag:s17] =	ssyncadd.s32 $0xFFFFE700  }
0x1c: {  	[tilespmem:s19], [sflag:$0x1] =	stream.indirect.gather [hbm4b:s3+s18], $0x80, s2, s18, $0xb8;
	[tilespmem:$0x15900] =	vst v63  }
0x1d: {  	_ = 	snop  }
0x1e: {  	[tilespmem:s20], [sflag:$0x2] =	stream.indirect.gather [hbm4b:s3+s18], $0x80, s18, s18, $0xb8;
	[tilespmem:$0x15900] =	vst v63  }
0x1f: {  	_ =	swait.ge [sflag:s21], $0x4000  }
0x20: {  	[sflag:s21] =	ssyncset.done $0x0  }
0x21: {  	s11 =	simm.s32 $0x100;
	[sflag:s21] =	ssyncadd.s32 $0xFFFFC000  }
0x22: {  	[tilespmem:s23], [sflag:$0x3] =	stream.indirect.gather [hbm4b:s3+s18], $0x80, s11, s18, $0xb8;
	[tilespmem:$0x15900] =	vst v63  }
0x23: {  	_ = 	snop  }
0x24: {  	[hbm4b:s4+s2] =	stream.linear.scatter [tilespmem:s19], [sflag:$0x6], $0x4000, $0x38;
	[tilespmem:$0x15900] =	vst v63  }
0x25: {  	_ =	swait.ge [sflag:s24], $0x4000  }
0x26: {  	[sflag:s24] =	ssyncset.done $0x0  }
0x27: {  	s16 =	simm.s32 $0x180;
	[sflag:s24] =	ssyncadd.s32 $0xFFFFC000  }
0x28: {  	[tilespmem:s26], [sflag:$0x4] =	stream.indirect.gather [hbm4b:s3+s18], $0x80, s16, s18, $0xb8;
	[tilespmem:$0x15900] =	vst v63  }
0x29: {  	s8 =	rddreg [dreg:$0x4]  }
0x2a: {  	[hbm4b:s8+s2] =	stream.linear.scatter [tilespmem:s20], [sflag:$0x7], $0x4000, $0x38;
	[tilespmem:$0x15900] =	vst v63  }
0x2b: {  	_ =	swait.ge [sflag:s28], $0x4000  }
0x2c: {  	[sflag:s28] =	ssyncset.done $0x0  }
0x2d: {  	s10 =	simm.s32 $0x200;
	[sflag:s28] =	ssyncadd.s32 $0xFFFFC000  }
0x2e: {  	[tilespmem:s30], [sflag:$0x5] =	stream.indirect.gather [hbm4b:s3+s18], $0x80, s10, s18, $0xb8;
	[tilespmem:$0x15900] =	vst v63  }
0x2f: {  	s11 =	rddreg [dreg:$0x5]  }
0x30: {  	[hbm4b:s11+s2] =	stream.linear.scatter [tilespmem:s23], [sflag:$0x8], $0x4000, $0x38;
	[tilespmem:$0x15900] =	vst v63  }
0x31: {  	_ =	swait.ge [sflag:s31], $0x4000  }
0x32: {  	[sflag:s31] =	ssyncset.done $0x0  }
0x33: {  	[sflag:s31] =	ssyncadd.s32 $0xFFFFC000  }
0x34: {  	_ =	swait.ge [sflag:s1], $0x4000  }
0x35: {  	[sflag:s1] =	ssyncset.done $0x0  }
0x36: {  	s16 =	simm.s32 $0x280;
	[sflag:s1] =	ssyncadd.s32 $0xFFFFC000  }
0x37: {  	[tilespmem:s19], [sflag:$0x1] =	stream.indirect.gather [hbm4b:s3+s18], $0x80, s16, s18, $0xb8;
	[tilespmem:$0x15900] =	vst v63  }
0x38: {  	s8 =	rddreg [dreg:$0x6]  }
0x39: {  	[hbm4b:s8+s2] =	stream.linear.scatter [tilespmem:s26], [sflag:$0x9], $0x4000, $0x38;
	[tilespmem:$0x15900] =	vst v63  }
0x3a: {  	_ =	swait.ge [sflag:s22], $0x4000  }
0x3b: {  	[sflag:s22] =	ssyncset.done $0x0  }
0x3c: {  	[sflag:s22] =	ssyncadd.s32 $0xFFFFC000  }
0x3d: {  	_ =	swait.ge [sflag:s25], $0x4000  }
0x3e: {  	[sflag:s25] =	ssyncset.done $0x0  }
0x3f: {  	s10 =	simm.s32 $0x300;
	[sflag:s25] =	ssyncadd.s32 $0xFFFFC000  }
0x40: {  	[tilespmem:s20], [sflag:$0x2] =	stream.indirect.gather [hbm4b:s3+s18], $0x80, s10, s18, $0xb8;
	[tilespmem:$0x15900] =	vst v63  }
0x41: {  	s11 =	rddreg [dreg:$0x7]  }
0x42: {  	[hbm4b:s11+s2] =	stream.linear.scatter [tilespmem:s30], [sflag:$0xA], $0x4000, $0x38;
	[tilespmem:$0x15900] =	vst v63  }
0x43: {  	_ =	swait.ge [sflag:s21], $0x4000  }
0x44: {  	[sflag:s21] =	ssyncset.done $0x0  }
0x45: {  	[sflag:s21] =	ssyncadd.s32 $0xFFFFC000  }
0x46: {  	_ =	swait.ge [sflag:s0], $0x4000  }
0x47: {  	[sflag:s0] =	ssyncset.done $0x0  }
0x48: {  	s16 =	simm.s32 $0x380;
	[sflag:s0] =	ssyncadd.s32 $0xFFFFC000  }
0x49: {  	[tilespmem:s23], [sflag:$0x3] =	stream.indirect.gather [hbm4b:s3+s18], $0x80, s16, s18, $0xb8;
	[tilespmem:$0x15900] =	vst v63  }
0x4a: {  	s8 =	sadd.s32 $0xFFFFE000, s9  }
0x4b: {  	[hbm4b:s8+s2] =	stream.linear.scatter [tilespmem:s19], [sflag:$0x6], $0x4000, $0x38;
	[tilespmem:$0x15900] =	vst v63  }
0x4c: {  	_ =	swait.ge [sflag:s24], $0x4000  }
0x4d: {  	[sflag:s24] =	ssyncset.done $0x0  }
0x4e: {  	[sflag:s24] =	ssyncadd.s32 $0xFFFFC000  }
0x4f: {  	_ =	swait.ge [sflag:s29], $0x4000  }
0x50: {  	[sflag:s29] =	ssyncset.done $0x0  }
0x51: {  	s10 =	simm.s32 $0x400;
	[sflag:s29] =	ssyncadd.s32 $0xFFFFC000  }
0x52: {  	[tilespmem:s26], [sflag:$0x4] =	stream.indirect.gather [hbm4b:s3+s18], $0x80, s10, s18, $0xb8;
	[tilespmem:$0x15900] =	vst v63  }
0x53: {  	s11 =	sadd.s32 $0xFFFFE800, s9  }
0x54: {  	[hbm4b:s11+s2] =	stream.linear.scatter [tilespmem:s20], [sflag:$0x7], $0x4000, $0x38;
	[tilespmem:$0x15900] =	vst v63  }
0x55: {  	_ =	swait.ge [sflag:s28], $0x4000  }
0x56: {  	[sflag:s28] =	ssyncset.done $0x0  }
0x57: {  	[sflag:s28] =	ssyncadd.s32 $0xFFFFC000  }
0x58: {  	_ =	swait.ge [sflag:s5], $0x4000  }
0x59: {  	[sflag:s5] =	ssyncset.done $0x0  }
0x5a: {  	s16 =	simm.s32 $0x480;
	[sflag:s5] =	ssyncadd.s32 $0xFFFFC000  }
0x5b: {  	[tilespmem:s30], [sflag:$0x5] =	stream.indirect.gather [hbm4b:s3+s18], $0x80, s16, s18, $0xb8;
	[tilespmem:$0x15900] =	vst v63  }
0x5c: {  	s8 =	sadd.s32 $0xFFFFF000, s9  }
0x5d: {  	[hbm4b:s8+s2] =	stream.linear.scatter [tilespmem:s23], [sflag:$0x8], $0x4000, $0x38;
	[tilespmem:$0x15900] =	vst v63  }
0x5e: {  	_ =	swait.ge [sflag:s31], $0x4000  }
0x5f: {  	[sflag:s31] =	ssyncset.done $0x0  }
0x60: {  	[sflag:s31] =	ssyncadd.s32 $0xFFFFC000  }
0x61: {  	_ =	swait.ge [sflag:s1], $0x4000  }
0x62: {  	[sflag:s1] =	ssyncset.done $0x0  }
0x63: {  	s10 =	simm.s32 $0x500;
	[sflag:s1] =	ssyncadd.s32 $0xFFFFC000  }
0x64: {  	[tilespmem:s19], [sflag:$0x1] =	stream.indirect.gather [hbm4b:s3+s18], $0x80, s10, s18, $0xb8;
	[tilespmem:$0x15900] =	vst v63  }
0x65: {  	s11 =	sadd.s32 $0xFFFFF800, s9  }
0x66: {  	[hbm4b:s11+s2] =	stream.linear.scatter [tilespmem:s26], [sflag:$0x9], $0x4000, $0x38;
	[tilespmem:$0x15900] =	vst v63  }
0x67: {  	_ =	swait.ge [sflag:s22], $0x4000  }
0x68: {  	[sflag:s22] =	ssyncset.done $0x0  }
0x69: {  	[sflag:s22] =	ssyncadd.s32 $0xFFFFC000  }
0x6a: {  	_ =	swait.ge [sflag:s25], $0x4000  }
0x6b: {  	[sflag:s25] =	ssyncset.done $0x0  }
0x6c: {  	s16 =	simm.s32 $0x580;
	[sflag:s25] =	ssyncadd.s32 $0xFFFFC000  }
0x6d: {  	[tilespmem:s20], [sflag:$0x2] =	stream.indirect.gather [hbm4b:s3+s18], $0x80, s16, s18, $0xb8;
	[tilespmem:$0x15900] =	vst v63  }
0x6e: {  	s7 =	simm.s32 $0xA00;
	s8 =	sadd.s32 $0x2800, s9;
	s16 =	smov.u32 s9  }
.LBB2_2:
0x6f: {  	[hbm4b:s16+s2] =	stream.linear.scatter [tilespmem:s30], [sflag:$0xA], $0x4000, $0x38;
	[tilespmem:$0x15900] =	vst v63  }
0x70: {  	s10 =	smov.u32 s7;
	s16 =	smov.u32 s8  }
0x71: {  	p0 =	sne.s32 s7, $0x4600;
	s7 =	sadd.s32 $0xA00, s7;
	_ =	swait.ge [sflag:s21], $0x4000  }
0x72: {  	[sflag:s21] =	ssyncset.done $0x0  }
0x73: {  	[sflag:s21] =	ssyncadd.s32 $0xFFFFC000  }
0x74: {  	_ =	swait.ge [sflag:s0], $0x4000  }
0x75: {  	s10 =	sshra.s32 s10, $0x2;
	[sflag:s0] =	ssyncset.done $0x0  }
0x76: {  	s11 =	sadd.s32 $0x380, s10;
	[sflag:s0] =	ssyncadd.s32 $0xFFFFC000  }
0x77: {  	[tilespmem:s23], [sflag:$0x3] =	stream.indirect.gather [hbm4b:s3+s18], $0x80, s11, s18, $0xb8;
	[tilespmem:$0x15900] =	vst v63  }
0x78: {  	s11 =	sadd.s32 $0xFFFFE000, s8  }
0x79: {  	[hbm4b:s11+s2] =	stream.linear.scatter [tilespmem:s19], [sflag:$0x6], $0x4000, $0x38;
	[tilespmem:$0x15900] =	vst v63  }
0x7a: {  	_ =	swait.ge [sflag:s24], $0x4000  }
0x7b: {  	[sflag:s24] =	ssyncset.done $0x0  }
0x7c: {  	[sflag:s24] =	ssyncadd.s32 $0xFFFFC000  }
0x7d: {  	_ =	swait.ge [sflag:s29], $0x4000  }
0x7e: {  	[sflag:s29] =	ssyncset.done $0x0  }
0x7f: {  	s11 =	sadd.s32 $0x400, s10;
	[sflag:s29] =	ssyncadd.s32 $0xFFFFC000  }
0x80: {  	[tilespmem:s26], [sflag:$0x4] =	stream.indirect.gather [hbm4b:s3+s18], $0x80, s11, s18, $0xb8;
	[tilespmem:$0x15900] =	vst v63  }
0x81: {  	s11 =	sadd.s32 $0xFFFFE800, s8  }
0x82: {  	[hbm4b:s11+s2] =	stream.linear.scatter [tilespmem:s20], [sflag:$0x7], $0x4000, $0x38;
	[tilespmem:$0x15900] =	vst v63  }
0x83: {  	_ =	swait.ge [sflag:s28], $0x4000  }
0x84: {  	[sflag:s28] =	ssyncset.done $0x0  }
0x85: {  	[sflag:s28] =	ssyncadd.s32 $0xFFFFC000  }
0x86: {  	_ =	swait.ge [sflag:s5], $0x4000  }
0x87: {  	[sflag:s5] =	ssyncset.done $0x0  }
0x88: {  	s11 =	sadd.s32 $0x480, s10;
	[sflag:s5] =	ssyncadd.s32 $0xFFFFC000  }
0x89: {  	[tilespmem:s30], [sflag:$0x5] =	stream.indirect.gather [hbm4b:s3+s18], $0x80, s11, s18, $0xb8;
	[tilespmem:$0x15900] =	vst v63  }
0x8a: {  	s11 =	sadd.s32 $0xFFFFF000, s8  }
0x8b: {  	[hbm4b:s11+s2] =	stream.linear.scatter [tilespmem:s23], [sflag:$0x8], $0x4000, $0x38;
	[tilespmem:$0x15900] =	vst v63  }
0x8c: {  	_ =	swait.ge [sflag:s31], $0x4000  }
0x8d: {  	[sflag:s31] =	ssyncset.done $0x0  }
0x8e: {  	[sflag:s31] =	ssyncadd.s32 $0xFFFFC000  }
0x8f: {  	_ =	swait.ge [sflag:s1], $0x4000  }
0x90: {  	[sflag:s1] =	ssyncset.done $0x0  }
0x91: {  	s11 =	sadd.s32 $0x500, s10;
	[sflag:s1] =	ssyncadd.s32 $0xFFFFC000  }
0x92: {  	[tilespmem:s19], [sflag:$0x1] =	stream.indirect.gather [hbm4b:s3+s18], $0x80, s11, s18, $0xb8;
	[tilespmem:$0x15900] =	vst v63  }
0x93: {  	s11 =	sadd.s32 $0xFFFFF800, s8  }
0x94: {  	[hbm4b:s11+s2] =	stream.linear.scatter [tilespmem:s26], [sflag:$0x9], $0x4000, $0x38;
	[tilespmem:$0x15900] =	vst v63  }
0x95: {  	_ =	swait.ge [sflag:s22], $0x4000  }
0x96: {  	[sflag:s22] =	ssyncset.done $0x0  }
0x97: {  	[sflag:s22] =	ssyncadd.s32 $0xFFFFC000  }
.Ltmp0:
0x98: {  	_ =	swait.ge [sflag:s25], $0x4000;
	(pc) =	sbr.rel @p0 .LBB2_2-.Ltmp0, $4  }
0x99: {  	[sflag:s25] =	ssyncset.done $0x0  }
0x9a: {  	s10 =	sadd.s32 $0x580, s10;
	[sflag:s25] =	ssyncadd.s32 $0xFFFFC000  }
0x9b: {  	[tilespmem:s20], [sflag:$0x2] =	stream.indirect.gather [hbm4b:s3+s18], $0x80, s10, s18, $0xb8;
	[tilespmem:$0x15900] =	vst v63  }
0x9c: {  	s8 =	sadd.s32 $0x2800, s8  }
0x9d: {  	[hbm4b:s16+s2] =	stream.linear.scatter [tilespmem:s30], [sflag:$0xA], $0x4000, $0x38;
	[tilespmem:$0x15900] =	vst v63  }
0x9e: {  	_ =	swait.ge [sflag:s21], $0x4000  }
0x9f: {  	[sflag:s21] =	ssyncset.done $0x0  }
0xa0: {  	[sflag:s21] =	ssyncadd.s32 $0xFFFFC000  }
0xa1: {  	_ =	swait.ge [sflag:s0], $0x4000  }
0xa2: {  	[sflag:s0] =	ssyncset.done $0x0  }
0xa3: {  	s7 =	simm.s32 $0x1780;
	[sflag:s0] =	ssyncadd.s32 $0xFFFFC000  }
0xa4: {  	[tilespmem:s23], [sflag:$0x3] =	stream.indirect.gather [hbm4b:s3+s18], $0x80, s7, s18, $0xb8;
	[tilespmem:$0x15900] =	vst v63  }
0xa5: {  	s8 =	rddreg [dreg:$0x8]  }
0xa6: {  	[hbm4b:s8+s2] =	stream.linear.scatter [tilespmem:s19], [sflag:$0x6], $0x4000, $0x38;
	[tilespmem:$0x15900] =	vst v63  }
0xa7: {  	_ =	swait.ge [sflag:s24], $0x4000  }
0xa8: {  	[sflag:s24] =	ssyncset.done $0x0  }
0xa9: {  	[sflag:s24] =	ssyncadd.s32 $0xFFFFC000  }
0xaa: {  	_ =	swait.ge [sflag:s29], $0x4000  }
0xab: {  	[sflag:s29] =	ssyncset.done $0x0  }
0xac: {  	s10 =	simm.s32 $0x1800;
	[sflag:s29] =	ssyncadd.s32 $0xFFFFC000  }
0xad: {  	[tilespmem:s26], [sflag:$0x4] =	stream.indirect.gather [hbm4b:s3+s18], $0x80, s10, s18, $0xb8;
	[tilespmem:$0x15900] =	vst v63  }
0xae: {  	s11 =	rddreg [dreg:$0x9]  }
0xaf: {  	[hbm4b:s11+s2] =	stream.linear.scatter [tilespmem:s20], [sflag:$0x7], $0x4000, $0x38;
	[tilespmem:$0x15900] =	vst v63  }
0xb0: {  	_ =	swait.ge [sflag:s28], $0x4000  }
0xb1: {  	[sflag:s28] =	ssyncset.done $0x0  }
0xb2: {  	[sflag:s28] =	ssyncadd.s32 $0xFFFFC000  }
0xb3: {  	_ =	swait.ge [sflag:s5], $0x4000  }
0xb4: {  	[sflag:s5] =	ssyncset.done $0x0  }
0xb5: {  	s16 =	simm.s32 $0x1880;
	[sflag:s5] =	ssyncadd.s32 $0xFFFFC000  }
0xb6: {  	[tilespmem:s30], [sflag:$0x5] =	stream.indirect.gather [hbm4b:s3+s18], $0x80, s16, s18, $0xb8;
	[tilespmem:$0x15900] =	vst v63  }
0xb7: {  	_ = 	snop  }
0xb8: {  	[hbm4b:s12+s2] =	stream.linear.scatter [tilespmem:s23], [sflag:$0x8], $0x4000, $0x38;
	[tilespmem:$0x15900] =	vst v63  }
0xb9: {  	_ =	swait.ge [sflag:s31], $0x4000  }
0xba: {  	[sflag:s31] =	ssyncset.done $0x0  }
0xbb: {  	[sflag:s31] =	ssyncadd.s32 $0xFFFFC000  }
0xbc: {  	[hbm4b:s13+s2] =	stream.linear.scatter [tilespmem:s26], [sflag:$0x9], $0x4000, $0x38;
	[tilespmem:$0x15900] =	vst v63  }
0xbd: {  	_ =	swait.ge [sflag:s22], $0x4000  }
0xbe: {  	[sflag:s22] =	ssyncset.done $0x0  }
0xbf: {  	[sflag:s22] =	ssyncadd.s32 $0xFFFFC000  }
0xc0: {  	[hbm4b:s14+s2] =	stream.linear.scatter [tilespmem:s30], [sflag:$0xA], $0x4000, $0x38;
	[tilespmem:$0x15900] =	vst v63  }
0xc1: {  	_ =	swait.ge [sflag:s1], $0x4000  }
0xc2: {  	[sflag:s1] =	ssyncset.done $0x0  }
0xc3: {  	[sflag:s1] =	ssyncadd.s32 $0xFFFFC000  }
0xc4: {  	_ =	swait.ge [sflag:s25], $0x4000  }
0xc5: {  	[sflag:s25] =	ssyncset.done $0x0  }
0xc6: {  	[sflag:s25] =	ssyncadd.s32 $0xFFFFC000  }
0xc7: {  	_ =	swait.ge [sflag:s0], $0x4000  }
0xc8: {  	[sflag:s0] =	ssyncset.done $0x0  }
0xc9: {  	s6 =	sadd.s32 $0x1, s6;
	[sflag:s0] =	ssyncadd.s32 $0xFFFFC000  }
0xca: {  	p0 =	sne.s32 s6, s15;
	_ =	swait.ge [sflag:s29], $0x4000  }
.Ltmp1:
0xcb: {  	[sflag:s29] =	ssyncset.done $0x0;
	(pc) =	sbr.rel @p0 .LBB2_1-.Ltmp1, $4  }
0xcc: {  	[sflag:s29] =	ssyncadd.s32 $0xFFFFC000  }
0xcd: {  	_ =	swait.ge [sflag:s5], $0x4000  }
0xce: {  	[sflag:s5] =	ssyncset.done $0x0  }
0xcf: {  	[sflag:s5] =	ssyncadd.s32 $0xFFFFC000  }
0xd0: {  	_ =	sfence.sel $0x180000  }
0xd1: {  	[bflag:$0x0] =	sbarrier.arrive $0xFFFF  }
0xd2: {  	_ =	strace $0x90000047  }
0xd3: {  	s0 =	stileid.u32;
	[bflag:$0x2] =	sbarrier.arrive $0xFFFF  }
0xd4: {  	p0 =	sne.s32 s0, $0x0;
	s0 =	rddreg [dreg:$0x2]  }
0xd5: {  	s0 =	sadd.s32 @!p0 $0x100000, s0  }
0xd6: {  	[sflag:s0] =	ssyncadd.tile.s32 @!p0 $0x1;
	_ =	shalt  }
.Lfunc_end2:
_tile_overlayer_lowered:
.L_overlay_start_2:
0xd7: {  	(tag) =	ssettag $0x2  }
0xd8: {  	s0 =	rddreg [dreg:$0x0];
	s2 =	stileid.u32  }
0xd9: {  	s1 =	rddreg [dreg:$0x1];
	p0 =	sne.s32 s2, $0x0  }
0xda: {  	s3 =	rddreg [dreg:$0x2];
	[bflag:$0x3] =	sbarrier.arrive $0xFFFF;
	s2 =	simm.s32 @!p0 $0x1C0B  }
0xdb: {  	[timem:s3], [sflag:s2] =	dma.local @!p0 [hbm:s0], s1  }
0xdc: {  	s0 =	simm.s32 @!p0 $0xB  }
0xdd: {  	_ =	swait.ge @!p0 [sflag:s0], s1  }
0xde: {  	s1 =	ssub.s32 @!p0 $0x0, s1;
	[sflag:s0] =	ssyncset.done @!p0 $0x0  }
0xdf: {  	[sflag:s0] =	ssyncadd.s32 @!p0 s1  }
0xe0: {  	[bflag:$0x3] =	sbarrier.arrive $0xFFFF  }
0xe1: {  	_ =	shalt  }

// kernel: sparse-core-data-format-call.cloned.1.call-start
scs
called_computation_lowered:
.L_overlay_start_0:
0x0: {  	s2 =	sld [smem:$0x3FD9]  }
0x1: {  	s3 =	sld [smem:$0x3FFE];
	_ =	sdelay $0x1  }
0x2: {  	s1 =	srdreg.scid  }
0x3: {  	s0 =	sand.u32 $0x1, s1  }
0x4: {  	s18 =	sshll.u32 s0, $0xA;
	s2 =	sadd.s32 s3, s2  }
0x5: {  	s2 =	sadd.s32 s2, s18  }
0x6: {  	[smem:$0x3FC5] =	sst s2  }
0x7: {  	_ = 	snop  }
0x8: {  	s2 =	sld [smem:$0x3FD0];
	(tm) =	ssettm $0x1  }
0x9: {  	s19 =	sld [smem:$0x3FFB];
	_ =	sdelay $0x3  }
0xa: {  	_ =	strace s19  }
0xb: {  	s3 =	sld [smem:$0x3FFC];
	_ =	sdelay $0x3  }
0xc: {  	_ =	strace s3  }
0xd: {  	s3 =	sld [smem:$0x3FFD];
	_ =	sdelay $0x3  }
0xe: {  	_ =	strace s3  }
0xf: {  	_ =	strace $0x8FFFFFFF  }
0x10: {  	s20 =	sld [smem:$0x3FDB];
	_ =	sdelay $0x1  }
0x11: {  	s4 =	simm.s32 $_scs_section_size  }
0x12: {  	s5 =	simm.s32 $_size__tile_overlayer_lowered;
	s6 =	simm.s32 $_tile_overlayer_lowered  }
0x13: {  	s23 =	simm.s32 $0x1BFF;
	s22 =	sshll.u32 s6, $0x1;
	s3 =	sadd.s32 s4, s20  }
0x14: {  	s7 =	simm.s32 $0x0;
	s21 =	sshll.u32 s5, $0x1;
	s5 =	sadd.s32 s22, s3  }
0x15: {  	[timem:s7], [sflag:s23] =	dma.local [hbm:s5], s21  }
0x16: {  	_ =	swait.ge [sflag:s23], s21  }
0x17: {  	s4 =	ssub.s32 $0x0, s21;
	[sflag:s23] =	ssyncset.done $0x0  }
0x18: {  	[sflag:s23] =	ssyncadd.s32 s4;
	_ =	sdelay $0x1  }
0x19: {  	s24 =	simm.s32 $0x1B8B  }
0x1a: {  	_ =	swait.ge [sflag:s24], $0x1  }
0x1b: {  	[sflag:s24] =	ssyncset.done $0x0  }
0x1c: {  	s26 =	simm.s32 $0x1B8E;
	s25 =	sld [smem:$0x3FFE];
	[sflag:s24] =	ssyncadd.s32 $0xFFFFFFFF  }
0x1d: {  	s27 =	simm.s32 $execute0_lowered;
	[smem:$0x3FD2] =	sst s26  }
0x1e: {  	s5 =	sshll.u32 s27, $0x1;
	_ =	strace $0x80000049;
	[dreg:$0x1] =	wrdreg $0xFFFFFFFF  }
0x1f: {  	s28 =	simm.s32 $_size_execute0_lowered;
	s3 =	sadd.s32 s3, s5;
	[dreg:$0x0] =	wrdreg $0x0  }
0x20: {  	s5 =	sshll.u32 s28, $0x1;
	[dreg:$0x2] =	wrdreg s3  }
0x21: {  	[dreg:$0x3] =	wrdreg s5  }
0x22: {  	[dreg:$0x4] =	wrdreg $0xC0  }
0x23: {  	_ =	task [dreg:s7], $0x5FFFF  }
0x24: {  	[dreg:$0x1] =	wrdreg $0xFFFFFFFF  }
0x25: {  	[dreg:$0x0] =	wrdreg $0x60  }
0x26: {  	[dreg:$0x2] =	wrdreg s2  }
0x27: {  	[dreg:$0x3] =	wrdreg s25  }
0x28: {  	[dreg:$0x4] =	wrdreg $0x9  }
0x29: {  	_ =	task.clear_ibuf [dreg:s7], $0x5FFFF;
	_ =	strace $0x90000049  }
0x2a: {  	s29 =	simm.s32 $0x9;
	_ =	strace $0x8000004B  }
0x2b: {  	_ =	swait.ge [sflag:s29], $0x1  }
0x2c: {  	[sflag:s29] =	ssyncadd.s32 $0xFFFFFFFF  }
0x2d: {  	_ =	strace $0x9000004B  }
0x2e: {  	_ =	sfence  }
0x2f: {  	s30 =	sld [smem:$0x0];
	_ =	sdelay $0x2  }
0x30: {  	s31 =	sshll.u32 s1, $0xD;
	s1 =	sshrl.u32 s1, $0x2  }
0x31: {  	s3 =	sand.u32 $0x4000, s31;
	s1 =	sadd.s32 s1, s30  }
0x32: {  	s0 =	sor.u32 s3, s0;
	s1 =	sshll.u32 s1, $0x11  }
0x33: {  	s0 =	sor.u32 s1, s0  }
0x34: {  	s0 =	sadd.s32 $0x8F2B, s0  }
0x35: {  	[sflag:s0] =	ssyncadd.remote.s32 $0x1  }
0x36: {  	_ =	sfence.sel $0xFFFF  }
0x37: {  	[dreg:$0x0] =	wrdreg $0xFFFFFFFF;
	(pc) =	sbr.abs _section_cstart, $3  }
0x38: {  	[dreg:$0x1] =	wrdreg $0xFFFFFFFF  }
0x39: {  	_ =	task.clear_ibuf [dreg:s7], $0x2FFFF;
	_ =	strace $0x9FFFFFFF  }
0x3a: {  	(tm) =	ssettm $0x7FFFFFFF  }
0x3b: {  	_ =	shalt  }
tec
execute0_lowered:
.L_overlay_start_1:
0x0: {  	(tag) =	ssettag $0x1  }
0x1: {  	s0 =	stileid.u32;
	s2 =	rddreg [dreg:$0x0]  }
0x2: {  	s6 =	rddreg [dreg:$0x1];
	s5 =	srdreg.scid  }
0x3: {  	s31 =	simm.s32 $0x2;
	s13 =	simm.s32 $0x0;
	s1 =	sshll.u32 s0, $0x7  }
0x4: {  	s14 =	simm.s32 $0x0;
	s12 =	simm.s32 $0x0;
	s3 =	sand.u32 $0x380, s1  }
0x5: {  	s5 =	sshll.u32 s5, $0x4;
	s6 =	sadd.s32 $0x800, s6;
	s4 =	ssub.s32 $0x400, s3  }
0x6: {  	s1 =	rddreg [dreg:$0x2];
	_ =	strace $0x8000004A;
	s7 =	sand.u32 $0x380, s4  }
0x7: {  	s5 =	sand.u32 $0x10, s5;
	p0 =	sne.s32 s7, $0x0;
	s7 =	simm.s32 $0x1  }
.Ltmp0:
0x8: {  	s8 =	sshrl.u32 s4, $0xA;
	s7 =	simm.s32 @!p0 $0x0;
	(pc) =	sbr.rel .LBB1_1-.Ltmp0, $4  }
0x9: {  	s9 =	sor.u32 s0, s5;
	s4 =	simm.s32 $0x1;
	s30 =	sadd.s32 s7, s8  }
0xa: {  	s11 =	smov.u32 s3;
	[sflag:s4] =	ssyncpa.u1 $0x0;
	s5 =	smul.u32 $0x32, s30  }
0xb: {  	[sflag:s31] =	ssyncpa.u1 $0x0;
	p0 =	por $0x0, $0x0;
	s7 =	sshrl.u32 s9, $0x3  }
0xc: {  	s9 =	simm.s32 $0x2000;
	s10 =	smov.u32 s7;
	s8 =	sor.u32 $0x1, s5  }
.LBB1_4:
0xd: {  	s17 =	sand.u32 $0x1F80, s14;
	s13 =	sshll.u32 s13, $0xD  }
0xe: {  	[tilespmem:s16+$0x810 ss:$0x81] =	vst.msk $0xffff, v2;
	s18 =	sshrl.u32 s14, $0x3;
	s31 =	sand.u32 $0x7, s14;
	s17 =	sadd.s32 s6, s17  }
0xf: {  	[tilespmem:s16+$0x1020 ss:$0x81] =	vst.msk $0xffff, v0;
	s18 =	sand.u32 $0xF, s18;
	s14 =	sshll.u32 s31, $0x12;
	s13 =	sadd.s32 s13, s17  }
0x10: {  	[tilespmem:s16+$0x0 ss:$0x81] =	vst.msk $0xffff, v1;
	s14 =	sor.u32 $0x400, s14;
	s13 =	sadd.s32 s18, s13  }
0x11: {  	[hbm4b:s13+s14] =	stream.strided.scatter [tilespmem:s15], [sflag:$0x2], $0x2000, s9, s14, $0x20;
	[tilespmem:$0x8080] =	vst v63  }
.LBB1_5:
0x12: {  	s15 =	sadd.s32 $0x4, s10  }
0x13: {  	s13 =	sadd.s32 $0x400, s11;
	s17 =	smov.u32 s11;
	p2 =	sgt.s32 s15, $0xC7  }
0x14: {  	s17 =	smov.u32 @p2 s13  }
0x15: {  	s15 =	smov.u32 @p2 s7;
	p2 =	sgt.s32 s17, $0x3FF  }
0x16: {  	s17 =	smov.u32 @p2 s3;
	p2 =	sne.s32 s12, s8  }
.Ltmp1:
0x17: {  	p1 =	slt.u32 s12, $0x2;
	(pc) =	sbr.rel @!p2 .LBB1_6-.Ltmp1, $4  }
0x18: {  	s16 =	simm.s32 @!p1 $0x2  }
0x19: {  	s14 =	smov.u32 s11;
	p0 =	por !p0, !p0;
	_ =	swait.ge @!p1 [sflag:s16], $0x2000  }
0x1a: {  	s13 =	smov.u32 s10;
	[sflag:s16] =	ssyncset.done @!p1 $0x0;
	s10 =	smov.u32 s15  }
0x1b: {  	s12 =	sadd.s32 $0x1, s12;
	[sflag:s16] =	ssyncadd.s32 @!p1 $0xFFFFE000;
	s11 =	smov.u32 s17  }
.LBB1_1:
0x1c: {  	p1 =	sge.u32 s12, s5  }
0x1d: {  	s15 =	sand.u32 @!p1 $0x1FFFFFF, s10  }
0x1e: {  	s16 =	smulhi.u32 @!p1 $0x147AE15, s15;
	_ =	sdelay $0x1  }
0x1f: {  	s16 =	smul.u32 @!p1 $0xC8, s16  }
0x20: {  	s17 =	sxor.u32 @!p1 $0xFFFFFFFF, s12;
	s18 =	smul.u32 @!p1 $0xC80, s11  }
0x21: {  	s31 =	sadd.s32 $0xFFFFFFFF, s12;
	s17 =	sshll.u32 @!p1 s17, $0xD;
	s15 =	ssub.s32 @!p1 s15, s16  }
0x22: {  	s16 =	sand.u32 @!p1 $0x2000, s17;
	s17 =	sadd.s32 @!p1 s2, s18;
	s15 =	sshll.u32 @!p1 s15, $0x4  }
0x23: {  	s18 =	simm.s32 @!p1 $0x6400;
	s15 =	sadd.s32 @!p1 s15, s17;
	s17 =	simm.s32 @!p1 $0x40  }
0x24: {  	[tilespmem:s16], [sflag:$0x1] =	stream.strided.gather @!p1 [hbm4b:s15+s17], $0x2000, s18, s17, $0x38;
	[tilespmem:$0x8080] =	vst v63  }
0x25: {  	p1 =	sge.u32 s31, s5  }
.Ltmp2:
0x26: {  	_ = 	snop;
	(pc) =	sbr.rel @p1 .LBB1_5-.Ltmp2, $1  }
0x27: {  	_ =	sdelay $0x3  }
0x28: {  	s15 =	simm.s32 $0x1  }
0x29: {  	_ =	swait.ge [sflag:s4], $0x2000;
	s15 =	simm.s32 @!p0 $0x0  }
0x2a: {  	[sflag:s4] =	ssyncset.done $0x0;
	s16 =	sshll.u32 s15, $0xD  }
0x2b: {  	[sflag:s4] =	ssyncadd.s32 $0xFFFFE000;
	s19 =	sor.u32 $0x20, s16  }
0x2c: {  	s15 =	smul.u32 $0x8100, s15;
	v3 =	vld [tilespmem:s19+$0x10]  }
0x2d: {  	s30 =	sand.u32 $0x1, s12;
	v2 =	vld [tilespmem:s19+$0xFFFFFFF0]  }
0x2e: {  	s16 =	smul.u32 $0x8100, s30;
	s15 =	sshrl.u32 s15, $0x2;
	v0 =	vld [tilespmem:s19+$0x0]  }
0x2f: {  	v1 =	vld [tilespmem:s19+$0xFFFFFFE0];
	s17 =	sor.u32 $0x4000, s15  }
0x30: {  	s31 =	sshrl.u32 s16, $0x2;
	s16 =	sadd.s32 $0x0, s17  }
0x31: {  	s18 =	simm.s32 $0x4;
	s19 =	sadd.s32 $0x40, s19;
	s15 =	sor.u32 $0x4000, s31;
	[tilespmem:s16+$0x1830 ss:$0x81] =	vst.msk $0xffff, v3  }
.LBB1_3:
0x32: {  	v3 =	vld [tilespmem:s19+$0x10];
	p1 =	sne.s32 s18, $0x1FC;
	[tilespmem:s16+$0x810 ss:$0x81] =	vst.msk $0xffff, v2;
	s20 =	smov.u32 s18;
	s18 =	sadd.s32 $0x4, s18  }
.Ltmp3:
0x33: {  	v2 =	vld [tilespmem:s19+$0xFFFFFFF0];
	[tilespmem:s16+$0x1020 ss:$0x81] =	vst.msk $0xffff, v0;
	(pc) =	sbr.rel @p1 .LBB1_3-.Ltmp3, $4  }
0x34: {  	v0 =	vld [tilespmem:s19+$0x0];
	[tilespmem:s16+$0x0 ss:$0x81] =	vst.msk $0xffff, v1  }
0x35: {  	s16 =	sshra.s32 s20, $0x2;
	v1 =	vld [tilespmem:s19+$0xFFFFFFE0]  }
0x36: {  	s16 =	sadd.s32 s16, s17  }
0x37: {  	s19 =	sadd.s32 $0x40, s19;
	[tilespmem:s16+$0x1830 ss:$0x81] =	vst.msk $0xffff, v3  }
.Ltmp4:
0x38: {  	_ = 	snop;
	(pc) =	sbr.rel .LBB1_4-.Ltmp4, $1  }
0x39: {  	_ =	sdelay $0x3  }
.LBB1_6:
0x3a: {  	_ =	sfence.sel $0x180000  }
0x3b: {  	s2 =	simm.s32 $0x1;
	[bflag:$0x0] =	sbarrier.arrive $0xFFFF  }
0x3c: {  	s31 =	simm.s32 $0x2;
	[sflag:s2] =	ssyncpa.u1 $0x1  }
0x3d: {  	[sflag:s31] =	ssyncpa.u1 $0x1  }
0x3e: {  	p0 =	sne.s32 s0, $0x0;
	_ =	strace $0x9000004A  }
0x3f: {  	s0 =	sadd.s32 @!p0 $0x100000, s1;
	[bflag:$0x2] =	sbarrier.arrive $0xFFFF  }
0x40: {  	[sflag:s0] =	ssyncadd.tile.s32 @!p0 $0x1;
	_ =	shalt  }
.Lfunc_end1:
_tile_overlayer_lowered:
.L_overlay_start_2:
0x41: {  	(tag) =	ssettag $0x2  }
0x42: {  	s0 =	rddreg [dreg:$0x0];
	s2 =	stileid.u32  }
0x43: {  	s1 =	rddreg [dreg:$0x1];
	p0 =	sne.s32 s2, $0x0  }
0x44: {  	s3 =	rddreg [dreg:$0x2];
	[bflag:$0x3] =	sbarrier.arrive $0xFFFF;
	s2 =	simm.s32 @!p0 $0x1C01  }
0x45: {  	[timem:s3], [sflag:s2] =	dma.local @!p0 [hbm:s0], s1  }
0x46: {  	s0 =	simm.s32 @!p0 $0x1  }
0x47: {  	_ =	swait.ge @!p0 [sflag:s0], s1  }
0x48: {  	s1 =	ssub.s32 @!p0 $0x0, s1;
	[sflag:s0] =	ssyncset.done @!p0 $0x0  }
0x49: {  	[sflag:s0] =	ssyncadd.s32 @!p0 s1  }
0x4a: {  	[bflag:$0x3] =	sbarrier.arrive $0xFFFF  }
0x4b: {  	_ =	shalt  }

</sc_bundles>
